<compile_context>
chip_gen: v7x
topology: tpu7x:2x2x1
jax: 0.10.2.dev20260603
libtpu: 0.0.44.dev20260713+nightly
codegen_flags: <defaults>
</compile_context>

<pallas_src>
import functools

import jax
import jax.numpy as jnp
from jax import lax
from jax.experimental import pallas as pl
from jax.experimental.pallas import tpu as pltpu
from jax.experimental.pallas import tpu_sc as plsc

K_TOP_ = 10
TILE_C = 2048
SUB = 16
LANES = 128
N_CAND = 100000
N_TILES = 49
N_CHUNK = N_TILES * LANES
P2_ROWS = 128
P4_ROWS = 256
SEL = K_TOP_ * SUB
ROW_W = SUB * 32
NEG_INF = float("-inf")
BIG = 2**30


def _p1_body(x_ref, c_ref, m_ref, tb_ref):
    t = pl.program_id(0)
    c = c_ref[...]
    s = jax.lax.dot_general(
        x_ref[...], c,
        dimension_numbers=(((1,), (1,)), ((), ())),
        preferred_element_type=jnp.float32,
    )
    lane = jax.lax.broadcasted_iota(jnp.int32, (1, LANES), 1)
    acc = None
    for u in range(SUB):
        slab = s[:, u * LANES:(u + 1) * LANES]
        gidx = t * TILE_C + u * LANES + lane
        slab = jnp.where(gidx < N_CAND, slab, NEG_INF)
        acc = slab if acc is None else jnp.maximum(acc, slab)
    m_ref[...] = acc
    tb_ref[...] = jnp.concatenate(
        [c[u * LANES:(u + 1) * LANES, :] for u in range(SUB)], axis=1)


def _p2_body(m_ref, o_ref):
    m = m_ref[...]
    iota = jax.lax.broadcasted_iota(jnp.int32, m.shape, 1)
    cols = []
    for _ in range(K_TOP_):
        mx = jnp.max(m, axis=1, keepdims=True)
        idx = jnp.min(jnp.where(m == mx, iota, BIG), axis=1, keepdims=True)
        cols.append(idx)
        m = jnp.where(iota == idx, NEG_INF, m)
    o_ref[...] = jnp.concatenate(cols, axis=1)


def _p4_body(x_ref, g_ref, ix_ref, os_ref, oi_ref):
    r = P4_ROWS
    gb = g_ref[...]
    x = x_ref[...]
    onehot3 = (jax.lax.broadcasted_iota(jnp.int32, (r, r, K_TOP_), 0)
               == jax.lax.broadcasted_iota(jnp.int32, (r, r, K_TOP_), 1))
    sel_parts = []
    for u in range(SUB):
        gu = gb[:, u * 32:(u + 1) * 32]
        full_u = jax.lax.dot_general(
            x, gu,
            dimension_numbers=(((1,), (1,)), ((), ())),
            preferred_element_type=jnp.float32,
        )
        cube = full_u.reshape(r, r, K_TOP_)
        sel_parts.append(jnp.max(jnp.where(onehot3, cube, NEG_INF), axis=1))
    sel = jnp.concatenate(sel_parts, axis=1)
    ixf = ix_ref[...]
    sel = jnp.where(ixf < N_CAND, sel, NEG_INF)
    iota = jax.lax.broadcasted_iota(jnp.int32, sel.shape, 1)
    svals, sids = [], []
    for _ in range(K_TOP_):
        mx = jnp.max(sel, axis=1, keepdims=True)
        pos = jnp.min(jnp.where(sel == mx, iota, BIG), axis=1, keepdims=True)
        cid = jnp.sum(jnp.where(iota == pos, ixf, 0), axis=1, keepdims=True)
        svals.append(mx)
        sids.append(cid)
        sel = jnp.where(iota == pos, NEG_INF, sel)
    os_ref[...] = jnp.concatenate(svals, axis=1)
    oi_ref[...] = jnp.concatenate(sids, axis=1)


_GATHER_B = 1024 * K_TOP_
_NW = 32
_PER_W = _GATHER_B // _NW
_CHUNK_G = 80


@functools.partial(
    pl.kernel,
    mesh=plsc.VectorSubcoreMesh(core_axis_name="c", subcore_axis_name="s"),
    out_type=jax.ShapeDtypeStruct((_GATHER_B, ROW_W), jnp.float32),
    scratch_types=[
        pltpu.VMEM((2, _CHUNK_G), jnp.int32),
        pltpu.VMEM((2, _CHUNK_G, ROW_W), jnp.float32),
        pltpu.SemaphoreType.DMA,
        pltpu.SemaphoreType.DMA,
    ],
)
def _sc_gather(table_hbm, idx_hbm, out_hbm, idx_v, rows_v, gsem, osem):
    wid = lax.axis_index("s") * 2 + lax.axis_index("c")
    n = _PER_W // _CHUNK_G

    pltpu.sync_copy(idx_hbm.at[pl.ds(wid * _PER_W, _CHUNK_G)], idx_v.at[0])
    gath_prev = pltpu.async_copy(
        table_hbm.at[idx_v.at[0]], rows_v.at[0], gsem)
    outs = []
    for ci in range(1, n):
        base = wid * _PER_W + ci * _CHUNK_G
        b = ci % 2
        if ci >= 2:
            outs[ci - 2].wait()
        pltpu.sync_copy(idx_hbm.at[pl.ds(base, _CHUNK_G)], idx_v.at[b])
        gath_next = pltpu.async_copy(
            table_hbm.at[idx_v.at[b]], rows_v.at[b], gsem)
        gath_prev.wait()
        outs.append(pltpu.async_copy(
            rows_v.at[1 - b],
            out_hbm.at[pl.ds(base - _CHUNK_G, _CHUNK_G)], osem))
        gath_prev = gath_next
    gath_prev.wait()
    if n >= 2:
        outs[n - 2].wait()
    pltpu.sync_copy(
        rows_v.at[(n - 1) % 2],
        out_hbm.at[pl.ds(wid * _PER_W + (n - 1) * _CHUNK_G, _CHUNK_G)])


def kernel(inputs, candidates, ids):
    B, D = inputs.shape

    chunk_max, table = pl.pallas_call(
        _p1_body,
        grid=(N_TILES,),
        in_specs=[
            pl.BlockSpec((B, D), lambda t: (0, 0)),
            pl.BlockSpec((TILE_C, D), lambda t: (t, 0)),
        ],
        out_specs=[
            pl.BlockSpec((B, LANES), lambda t: (0, t)),
            pl.BlockSpec((LANES, ROW_W), lambda t: (t, 0)),
        ],
        out_shape=[
            jax.ShapeDtypeStruct((B, N_CHUNK), jnp.float32),
            jax.ShapeDtypeStruct((N_CHUNK, ROW_W), jnp.float32),
        ],
    )(inputs, candidates)

    chunk_idx = pl.pallas_call(
        _p2_body,
        grid=(B // P2_ROWS,),
        in_specs=[pl.BlockSpec((P2_ROWS, N_CHUNK), lambda r: (r, 0))],
        out_specs=pl.BlockSpec((P2_ROWS, K_TOP_), lambda r: (r, 0)),
        out_shape=jax.ShapeDtypeStruct((B, K_TOP_), jnp.int32),
    )(chunk_max)

    g = _sc_gather(table, chunk_idx.reshape(-1))

    sub = jnp.arange(SUB, dtype=jnp.int32)
    base = (chunk_idx // LANES) * TILE_C + (chunk_idx % LANES)
    idx_full = (base[:, None, :] + LANES * sub[None, :, None]).reshape(B, SEL)

    top_scores, top_idx = pl.pallas_call(
        _p4_body,
        grid=(B // P4_ROWS,),
        in_specs=[
            pl.BlockSpec((P4_ROWS, D), lambda r: (r, 0)),
            pl.BlockSpec((P4_ROWS * K_TOP_, ROW_W), lambda r: (r, 0)),
            pl.BlockSpec((P4_ROWS, SEL), lambda r: (r, 0)),
        ],
        out_specs=[
            pl.BlockSpec((P4_ROWS, K_TOP_), lambda r: (r, 0)),
            pl.BlockSpec((P4_ROWS, K_TOP_), lambda r: (r, 0)),
        ],
        out_shape=[
            jax.ShapeDtypeStruct((B, K_TOP_), jnp.float32),
            jax.ShapeDtypeStruct((B, K_TOP_), jnp.int32),
        ],
    )(inputs, g, idx_full)

    top_ids = jnp.take(ids, top_idx, axis=0)
    return top_scores, top_ids

# --- scband reference (transcript-rebuilt; emitter-appended) ---
"""Pipeline reference for scband-brute-force-1486058685043 (READ-ONLY COPY).

The authoritative reference and input builder live on the scoring server;
editing this copy changes nothing except your own understanding.
"""

import jax, jax.numpy as jnp
import numpy as np

K_TOP = 10

def setup_inputs(seed: int = 0) -> dict:
    key = jax.random.key(seed)
    k1, k2 = jax.random.split(key)
    inputs = jax.random.normal(k1, (1024, 32), dtype=jnp.float32)
    candidates = jax.random.normal(k2, (100000, 32), dtype=jnp.float32)
    ids = jnp.arange(100000, dtype=jnp.int32)
    return {"inputs": inputs, "candidates": candidates, "ids": ids}

def reference(inputs, candidates, ids):
    # BruteForce.call: score all candidates then top-k
    scores = jnp.matmul(inputs, candidates.T)  # [B, K]
    top_scores, top_idx = jax.lax.top_k(scores, K_TOP)
    top_ids = jnp.take(ids, top_idx, axis=0)
    return top_scores, top_ids

if __name__ == "__main__":
    import jax
    _d = setup_inputs()
    print(jax.jit(kernel)(*tuple(_d.values())))

</pallas_src>

<mosaic_0001>
#map = affine_map<(d0, d1) -> (0, 0)>
#map1 = affine_map<(d0, d1) -> (0)>
module attributes {stable_mosaic.version = 14 : i64} {
  func.func @_sc_gather(%arg0: i32, %arg1: i32, %arg2: memref<6272x512xf32, #tpu.memory_space<hbm>>, %arg3: memref<10240xi32, #tpu.memory_space<hbm>>, %arg4: memref<10240x512xf32, #tpu.memory_space<hbm>>, %arg5: memref<2x80xi32, #tpu.memory_space<vmem>>, %arg6: memref<2x80x512xf32, #tpu.memory_space<vmem>>, %arg7: memref<!tpu.dma_semaphore, #tpu.memory_space<semaphore_mem>>, %arg8: memref<!tpu.dma_semaphore, #tpu.memory_space<semaphore_mem>>) attributes {dimension_semantics = [#tpu.dimension_semantics<core_parallel>, #tpu.dimension_semantics<subcore_parallel>], iteration_bounds = array<i64: 2, 16>, scalar_prefetch = 0 : i64, scratch_operands = 4 : i64, tpu.core_type = #tpu.core_type<sc_vector_subcore>, window_params = [{transform_indices = #map}, {transform_indices = #map1}, {transform_indices = #map}]} {
    %mul3A = arith.constant 2 : i32
    %mul3A_0 = arith.muli %arg1, %mul3A : i32
    %add3A = arith.addi %mul3A_0, %arg0 : i32
    %mul3A_1 = arith.constant 320 : i32
    %mul3A_2 = arith.muli %add3A, %mul3A_1 : i32
    %run_scoped3A = arith.constant 0 : i32
    "tpu.region"() ({
      %run_scoped3A_200 = tpu.sem_alloc : memref<!tpu.dma_semaphore, #tpu.memory_space<semaphore_mem>>
      %dma_start3A_201 = arith.constant 0 : i32
      %dma_start3A_202 = tpu.memref_slice %arg5[%run_scoped3A, %dma_start3A_201] : memref<2x80xi32, #tpu.memory_space<vmem>> -> memref<1x80xi32, #tpu.memory_space<vmem>>
      %dma_start3A_203 = tpu.memref_squeeze %dma_start3A_202 : memref<1x80xi32, #tpu.memory_space<vmem>> -> memref<80xi32, #tpu.memory_space<vmem>>
      %dma_start3A_204 = tpu.memref_slice %arg3[%mul3A_2] : memref<10240xi32, #tpu.memory_space<hbm>> -> memref<80xi32, #tpu.memory_space<hbm>>
      %dma_start3A_205 = arith.constant 0 : i32
      %dma_start3A_206 = tpu.memref_slice %arg5[%run_scoped3A, %dma_start3A_205] : memref<2x80xi32, #tpu.memory_space<vmem>> -> memref<1x80xi32, #tpu.memory_space<vmem>>
      %dma_start3A_207 = tpu.memref_squeeze %dma_start3A_206 : memref<1x80xi32, #tpu.memory_space<vmem>> -> memref<80xi32, #tpu.memory_space<vmem>>
      %dma_start3A_208 = tpu.memref_slice %arg3[%mul3A_2] : memref<10240xi32, #tpu.memory_space<hbm>> -> memref<80xi32, #tpu.memory_space<hbm>>
      tpu.enqueue_dma source(%dma_start3A_208 : memref<80xi32, #tpu.memory_space<hbm>>) target(%dma_start3A_207 : memref<80xi32, #tpu.memory_space<vmem>>) target_semaphore(%run_scoped3A_200 : memref<!tpu.dma_semaphore, #tpu.memory_space<semaphore_mem>>)
      %dma_wait3A_209 = arith.constant 0 : i32
      %dma_wait3A_210 = tpu.memref_slice %arg5[%run_scoped3A, %dma_wait3A_209] : memref<2x80xi32, #tpu.memory_space<vmem>> -> memref<1x80xi32, #tpu.memory_space<vmem>>
      %dma_wait3A_211 = tpu.memref_squeeze %dma_wait3A_210 : memref<1x80xi32, #tpu.memory_space<vmem>> -> memref<80xi32, #tpu.memory_space<vmem>>
      %dma_wait3A_212 = tpu.memref_slice %arg3[%mul3A_2] : memref<10240xi32, #tpu.memory_space<hbm>> -> memref<80xi32, #tpu.memory_space<hbm>>
      %dma_wait3A_213 = arith.constant 0 : i32
      %dma_wait3A_214 = tpu.memref_slice %arg5[%run_scoped3A, %dma_wait3A_213] : memref<2x80xi32, #tpu.memory_space<vmem>> -> memref<1x80xi32, #tpu.memory_space<vmem>>
      %dma_wait3A_215 = tpu.memref_squeeze %dma_wait3A_214 : memref<1x80xi32, #tpu.memory_space<vmem>> -> memref<80xi32, #tpu.memory_space<vmem>>
      %dma_wait3A_216 = tpu.memref_slice %arg3[%mul3A_2] : memref<10240xi32, #tpu.memory_space<hbm>> -> memref<80xi32, #tpu.memory_space<hbm>>
      tpu.wait_dma2 semaphore(%run_scoped3A_200 : memref<!tpu.dma_semaphore, #tpu.memory_space<semaphore_mem>>) src(%dma_wait3A_216 : memref<80xi32, #tpu.memory_space<hbm>>) dst(%dma_wait3A_215 : memref<80xi32, #tpu.memory_space<vmem>>)
      tpu.yield
    }) : () -> ()
    %dma_start3A = arith.constant 0 : i32
    %dma_start3A_3 = arith.constant 0 : i32
    %dma_start3A_4 = arith.constant 0 : i32
    %dma_start3A_5 = arith.constant 0 : i32
    %dma_start3A_6 = tpu.memref_slice %arg6[%dma_start3A_3, %dma_start3A_4, %dma_start3A_5] : memref<2x80x512xf32, #tpu.memory_space<vmem>> -> memref<1x80x512xf32, #tpu.memory_space<vmem>>
    %dma_start3A_7 = tpu.memref_squeeze %dma_start3A_6 : memref<1x80x512xf32, #tpu.memory_space<vmem>> -> memref<80x512xf32, #tpu.memory_space<vmem>>
    %dma_start3A_8 = arith.constant 0 : i32
    %dma_start3A_9 = tpu.memref_slice %arg5[%dma_start3A, %dma_start3A_8] : memref<2x80xi32, #tpu.memory_space<vmem>> -> memref<1x80xi32, #tpu.memory_space<vmem>>
    %dma_start3A_10 = tpu.memref_squeeze %dma_start3A_9 : memref<1x80xi32, #tpu.memory_space<vmem>> -> memref<80xi32, #tpu.memory_space<vmem>>
    %dma_start3A_11 = arith.constant 0 : i32
    %dma_start3A_12 = arith.constant 0 : i32
    %dma_start3A_13 = tpu.memref_slice %arg2[%dma_start3A_11, %dma_start3A_12] : memref<6272x512xf32, #tpu.memory_space<hbm>> -> memref<6272x512xf32, #tpu.memory_space<hbm>>
    tpu.enqueue_indirect_dma source(%dma_start3A_13 : memref<6272x512xf32, #tpu.memory_space<hbm>>) target(%dma_start3A_7 : memref<80x512xf32, #tpu.memory_space<vmem>>) offsets(%dma_start3A_10 : memref<80xi32, #tpu.memory_space<vmem>>) semaphore(%arg7 : memref<!tpu.dma_semaphore, #tpu.memory_space<semaphore_mem>>)
    %mul3A_14 = arith.constant 320 : i32
    %mul3A_15 = arith.muli %add3A, %mul3A_14 : i32
    %add3A_16 = arith.constant 80 : i32
    %add3A_17 = arith.addi %mul3A_15, %add3A_16 : i32
    %run_scoped3A_18 = arith.constant 1 : i32
    "tpu.region"() ({
      %run_scoped3A_200 = tpu.sem_alloc : memref<!tpu.dma_semaphore, #tpu.memory_space<semaphore_mem>>
      %dma_start3A_201 = arith.constant 0 : i32
      %dma_start3A_202 = tpu.memref_slice %arg5[%run_scoped3A_18, %dma_start3A_201] : memref<2x80xi32, #tpu.memory_space<vmem>> -> memref<1x80xi32, #tpu.memory_space<vmem>>
      %dma_start3A_203 = tpu.memref_squeeze %dma_start3A_202 : memref<1x80xi32, #tpu.memory_space<vmem>> -> memref<80xi32, #tpu.memory_space<vmem>>
      %dma_start3A_204 = tpu.memref_slice %arg3[%add3A_17] : memref<10240xi32, #tpu.memory_space<hbm>> -> memref<80xi32, #tpu.memory_space<hbm>>
      %dma_start3A_205 = arith.constant 0 : i32
      %dma_start3A_206 = tpu.memref_slice %arg5[%run_scoped3A_18, %dma_start3A_205] : memref<2x80xi32, #tpu.memory_space<vmem>> -> memref<1x80xi32, #tpu.memory_space<vmem>>
      %dma_start3A_207 = tpu.memref_squeeze %dma_start3A_206 : memref<1x80xi32, #tpu.memory_space<vmem>> -> memref<80xi32, #tpu.memory_space<vmem>>
      %dma_start3A_208 = tpu.memref_slice %arg3[%add3A_17] : memref<10240xi32, #tpu.memory_space<hbm>> -> memref<80xi32, #tpu.memory_space<hbm>>
      tpu.enqueue_dma source(%dma_start3A_208 : memref<80xi32, #tpu.memory_space<hbm>>) target(%dma_start3A_207 : memref<80xi32, #tpu.memory_space<vmem>>) target_semaphore(%run_scoped3A_200 : memref<!tpu.dma_semaphore, #tpu.memory_space<semaphore_mem>>)
      %dma_wait3A_209 = arith.constant 0 : i32
      %dma_wait3A_210 = tpu.memref_slice %arg5[%run_scoped3A_18, %dma_wait3A_209] : memref<2x80xi32, #tpu.memory_space<vmem>> -> memref<1x80xi32, #tpu.memory_space<vmem>>
      %dma_wait3A_211 = tpu.memref_squeeze %dma_wait3A_210 : memref<1x80xi32, #tpu.memory_space<vmem>> -> memref<80xi32, #tpu.memory_space<vmem>>
      %dma_wait3A_212 = tpu.memref_slice %arg3[%add3A_17] : memref<10240xi32, #tpu.memory_space<hbm>> -> memref<80xi32, #tpu.memory_space<hbm>>
      %dma_wait3A_213 = arith.constant 0 : i32
      %dma_wait3A_214 = tpu.memref_slice %arg5[%run_scoped3A_18, %dma_wait3A_213] : memref<2x80xi32, #tpu.memory_space<vmem>> -> memref<1x80xi32, #tpu.memory_space<vmem>>
      %dma_wait3A_215 = tpu.memref_squeeze %dma_wait3A_214 : memref<1x80xi32, #tpu.memory_space<vmem>> -> memref<80xi32, #tpu.memory_space<vmem>>
      %dma_wait3A_216 = tpu.memref_slice %arg3[%add3A_17] : memref<10240xi32, #tpu.memory_space<hbm>> -> memref<80xi32, #tpu.memory_space<hbm>>
      tpu.wait_dma2 semaphore(%run_scoped3A_200 : memref<!tpu.dma_semaphore, #tpu.memory_space<semaphore_mem>>) src(%dma_wait3A_216 : memref<80xi32, #tpu.memory_space<hbm>>) dst(%dma_wait3A_215 : memref<80xi32, #tpu.memory_space<vmem>>)
      tpu.yield
    }) : () -> ()
    %dma_start3A_19 = arith.constant 1 : i32
    %dma_start3A_20 = arith.constant 1 : i32
    %dma_start3A_21 = arith.constant 0 : i32
    %dma_start3A_22 = arith.constant 0 : i32
    %dma_start3A_23 = tpu.memref_slice %arg6[%dma_start3A_20, %dma_start3A_21, %dma_start3A_22] : memref<2x80x512xf32, #tpu.memory_space<vmem>> -> memref<1x80x512xf32, #tpu.memory_space<vmem>>
    %dma_start3A_24 = tpu.memref_squeeze %dma_start3A_23 : memref<1x80x512xf32, #tpu.memory_space<vmem>> -> memref<80x512xf32, #tpu.memory_space<vmem>>
    %dma_start3A_25 = arith.constant 0 : i32
    %dma_start3A_26 = tpu.memref_slice %arg5[%dma_start3A_19, %dma_start3A_25] : memref<2x80xi32, #tpu.memory_space<vmem>> -> memref<1x80xi32, #tpu.memory_space<vmem>>
    %dma_start3A_27 = tpu.memref_squeeze %dma_start3A_26 : memref<1x80xi32, #tpu.memory_space<vmem>> -> memref<80xi32, #tpu.memory_space<vmem>>
    %dma_start3A_28 = arith.constant 0 : i32
    %dma_start3A_29 = arith.constant 0 : i32
    %dma_start3A_30 = tpu.memref_slice %arg2[%dma_start3A_28, %dma_start3A_29] : memref<6272x512xf32, #tpu.memory_space<hbm>> -> memref<6272x512xf32, #tpu.memory_space<hbm>>
    tpu.enqueue_indirect_dma source(%dma_start3A_30 : memref<6272x512xf32, #tpu.memory_space<hbm>>) target(%dma_start3A_24 : memref<80x512xf32, #tpu.memory_space<vmem>>) offsets(%dma_start3A_27 : memref<80xi32, #tpu.memory_space<vmem>>) semaphore(%arg7 : memref<!tpu.dma_semaphore, #tpu.memory_space<semaphore_mem>>)
    %dma_wait3A = arith.constant 0 : i32
    %dma_wait3A_31 = arith.constant 0 : i32
    %dma_wait3A_32 = arith.constant 0 : i32
    %dma_wait3A_33 = arith.constant 0 : i32
    %dma_wait3A_34 = tpu.memref_slice %arg6[%dma_wait3A_31, %dma_wait3A_32, %dma_wait3A_33] : memref<2x80x512xf32, #tpu.memory_space<vmem>> -> memref<1x80x512xf32, #tpu.memory_space<vmem>>
    %dma_wait3A_35 = tpu.memref_squeeze %dma_wait3A_34 : memref<1x80x512xf32, #tpu.memory_space<vmem>> -> memref<80x512xf32, #tpu.memory_space<vmem>>
    %dma_wait3A_36 = arith.constant 0 : i32
    %dma_wait3A_37 = tpu.memref_slice %arg5[%dma_wait3A, %dma_wait3A_36] : memref<2x80xi32, #tpu.memory_space<vmem>> -> memref<1x80xi32, #tpu.memory_space<vmem>>
    %dma_wait3A_38 = tpu.memref_squeeze %dma_wait3A_37 : memref<1x80xi32, #tpu.memory_space<vmem>> -> memref<80xi32, #tpu.memory_space<vmem>>
    %dma_wait3A_39 = arith.constant 0 : i32
    %dma_wait3A_40 = arith.constant 0 : i32
    %dma_wait3A_41 = tpu.memref_slice %arg2[%dma_wait3A_39, %dma_wait3A_40] : memref<6272x512xf32, #tpu.memory_space<hbm>> -> memref<6272x512xf32, #tpu.memory_space<hbm>>
    tpu.wait_indirect_dma semaphore(%arg7 : memref<!tpu.dma_semaphore, #tpu.memory_space<semaphore_mem>>) src(%dma_wait3A_41 : memref<6272x512xf32, #tpu.memory_space<hbm>>) dst(%dma_wait3A_35 : memref<80x512xf32, #tpu.memory_space<vmem>>)
    %sub3A = arith.constant 80 : i32
    %sub3A_42 = arith.subi %add3A_17, %sub3A : i32
    %dma_start3A_43 = arith.constant 0 : i32
    %dma_start3A_44 = arith.constant 0 : i32
    %dma_start3A_45 = arith.constant 0 : i32
    %dma_start3A_46 = tpu.memref_slice %arg6[%dma_start3A_43, %dma_start3A_44, %dma_start3A_45] : memref<2x80x512xf32, #tpu.memory_space<vmem>> -> memref<1x80x512xf32, #tpu.memory_space<vmem>>
    %dma_start3A_47 = tpu.memref_squeeze %dma_start3A_46 : memref<1x80x512xf32, #tpu.memory_space<vmem>> -> memref<80x512xf32, #tpu.memory_space<vmem>>
    %dma_start3A_48 = arith.constant 0 : i32
    %dma_start3A_49 = tpu.memref_slice %arg4[%sub3A_42, %dma_start3A_48] : memref<10240x512xf32, #tpu.memory_space<hbm>> -> memref<80x512xf32, #tpu.memory_space<hbm>>
    %dma_start3A_50 = arith.constant 0 : i32
    %dma_start3A_51 = tpu.memref_slice %arg4[%sub3A_42, %dma_start3A_50] : memref<10240x512xf32, #tpu.memory_space<hbm>> -> memref<80x512xf32, #tpu.memory_space<hbm>>
    %dma_start3A_52 = arith.constant 0 : i32
    %dma_start3A_53 = arith.constant 0 : i32
    %dma_start3A_54 = tpu.memref_slice %arg6[%dma_start3A_43, %dma_start3A_52, %dma_start3A_53] : memref<2x80x512xf32, #tpu.memory_space<vmem>> -> memref<1x80x512xf32, #tpu.memory_space<vmem>>
    %dma_start3A_55 = tpu.memref_squeeze %dma_start3A_54 : memref<1x80x512xf32, #tpu.memory_space<vmem>> -> memref<80x512xf32, #tpu.memory_space<vmem>>
    tpu.enqueue_dma source(%dma_start3A_55 : memref<80x512xf32, #tpu.memory_space<vmem>>) target(%dma_start3A_51 : memref<80x512xf32, #tpu.memory_space<hbm>>) target_semaphore(%arg8 : memref<!tpu.dma_semaphore, #tpu.memory_space<semaphore_mem>>)
    %mul3A_56 = arith.constant 320 : i32
    %mul3A_57 = arith.muli %add3A, %mul3A_56 : i32
    %add3A_58 = arith.constant 160 : i32
    %add3A_59 = arith.addi %mul3A_57, %add3A_58 : i32
    %dma_wait3A_60 = arith.constant 0 : i32
    %dma_wait3A_61 = arith.constant 0 : i32
    %dma_wait3A_62 = arith.constant 0 : i32
    %dma_wait3A_63 = tpu.memref_slice %arg6[%dma_wait3A_60, %dma_wait3A_61, %dma_wait3A_62] : memref<2x80x512xf32, #tpu.memory_space<vmem>> -> memref<1x80x512xf32, #tpu.memory_space<vmem>>
    %dma_wait3A_64 = tpu.memref_squeeze %dma_wait3A_63 : memref<1x80x512xf32, #tpu.memory_space<vmem>> -> memref<80x512xf32, #tpu.memory_space<vmem>>
    %dma_wait3A_65 = arith.constant 0 : i32
    %dma_wait3A_66 = tpu.memref_slice %arg4[%sub3A_42, %dma_wait3A_65] : memref<10240x512xf32, #tpu.memory_space<hbm>> -> memref<80x512xf32, #tpu.memory_space<hbm>>
    %dma_wait3A_67 = arith.constant 0 : i32
    %dma_wait3A_68 = tpu.memref_slice %arg4[%sub3A_42, %dma_wait3A_67] : memref<10240x512xf32, #tpu.memory_space<hbm>> -> memref<80x512xf32, #tpu.memory_space<hbm>>
    %dma_wait3A_69 = arith.constant 0 : i32
    %dma_wait3A_70 = arith.constant 0 : i32
    %dma_wait3A_71 = tpu.memref_slice %arg6[%dma_wait3A_60, %dma_wait3A_69, %dma_wait3A_70] : memref<2x80x512xf32, #tpu.memory_space<vmem>> -> memref<1x80x512xf32, #tpu.memory_space<vmem>>
    %dma_wait3A_72 = tpu.memref_squeeze %dma_wait3A_71 : memref<1x80x512xf32, #tpu.memory_space<vmem>> -> memref<80x512xf32, #tpu.memory_space<vmem>>
    tpu.wait_dma2 semaphore(%arg8 : memref<!tpu.dma_semaphore, #tpu.memory_space<semaphore_mem>>) src(%dma_wait3A_72 : memref<80x512xf32, #tpu.memory_space<vmem>>) dst(%dma_wait3A_68 : memref<80x512xf32, #tpu.memory_space<hbm>>)
    %run_scoped3A_73 = arith.constant 0 : i32
    "tpu.region"() ({
      %run_scoped3A_200 = tpu.sem_alloc : memref<!tpu.dma_semaphore, #tpu.memory_space<semaphore_mem>>
      %dma_start3A_201 = arith.constant 0 : i32
      %dma_start3A_202 = tpu.memref_slice %arg5[%run_scoped3A_73, %dma_start3A_201] : memref<2x80xi32, #tpu.memory_space<vmem>> -> memref<1x80xi32, #tpu.memory_space<vmem>>
      %dma_start3A_203 = tpu.memref_squeeze %dma_start3A_202 : memref<1x80xi32, #tpu.memory_space<vmem>> -> memref<80xi32, #tpu.memory_space<vmem>>
      %dma_start3A_204 = tpu.memref_slice %arg3[%add3A_59] : memref<10240xi32, #tpu.memory_space<hbm>> -> memref<80xi32, #tpu.memory_space<hbm>>
      %dma_start3A_205 = arith.constant 0 : i32
      %dma_start3A_206 = tpu.memref_slice %arg5[%run_scoped3A_73, %dma_start3A_205] : memref<2x80xi32, #tpu.memory_space<vmem>> -> memref<1x80xi32, #tpu.memory_space<vmem>>
      %dma_start3A_207 = tpu.memref_squeeze %dma_start3A_206 : memref<1x80xi32, #tpu.memory_space<vmem>> -> memref<80xi32, #tpu.memory_space<vmem>>
      %dma_start3A_208 = tpu.memref_slice %arg3[%add3A_59] : memref<10240xi32, #tpu.memory_space<hbm>> -> memref<80xi32, #tpu.memory_space<hbm>>
      tpu.enqueue_dma source(%dma_start3A_208 : memref<80xi32, #tpu.memory_space<hbm>>) target(%dma_start3A_207 : memref<80xi32, #tpu.memory_space<vmem>>) target_semaphore(%run_scoped3A_200 : memref<!tpu.dma_semaphore, #tpu.memory_space<semaphore_mem>>)
      %dma_wait3A_209 = arith.constant 0 : i32
      %dma_wait3A_210 = tpu.memref_slice %arg5[%run_scoped3A_73, %dma_wait3A_209] : memref<2x80xi32, #tpu.memory_space<vmem>> -> memref<1x80xi32, #tpu.memory_space<vmem>>
      %dma_wait3A_211 = tpu.memref_squeeze %dma_wait3A_210 : memref<1x80xi32, #tpu.memory_space<vmem>> -> memref<80xi32, #tpu.memory_space<vmem>>
      %dma_wait3A_212 = tpu.memref_slice %arg3[%add3A_59] : memref<10240xi32, #tpu.memory_space<hbm>> -> memref<80xi32, #tpu.memory_space<hbm>>
      %dma_wait3A_213 = arith.constant 0 : i32
      %dma_wait3A_214 = tpu.memref_slice %arg5[%run_scoped3A_73, %dma_wait3A_213] : memref<2x80xi32, #tpu.memory_space<vmem>> -> memref<1x80xi32, #tpu.memory_space<vmem>>
      %dma_wait3A_215 = tpu.memref_squeeze %dma_wait3A_214 : memref<1x80xi32, #tpu.memory_space<vmem>> -> memref<80xi32, #tpu.memory_space<vmem>>
      %dma_wait3A_216 = tpu.memref_slice %arg3[%add3A_59] : memref<10240xi32, #tpu.memory_space<hbm>> -> memref<80xi32, #tpu.memory_space<hbm>>
      tpu.wait_dma2 semaphore(%run_scoped3A_200 : memref<!tpu.dma_semaphore, #tpu.memory_space<semaphore_mem>>) src(%dma_wait3A_216 : memref<80xi32, #tpu.memory_space<hbm>>) dst(%dma_wait3A_215 : memref<80xi32, #tpu.memory_space<vmem>>)
      tpu.yield
    }) : () -> ()
    %dma_start3A_74 = arith.constant 0 : i32
    %dma_start3A_75 = arith.constant 0 : i32
    %dma_start3A_76 = arith.constant 0 : i32
    %dma_start3A_77 = arith.constant 0 : i32
    %dma_start3A_78 = tpu.memref_slice %arg6[%dma_start3A_75, %dma_start3A_76, %dma_start3A_77] : memref<2x80x512xf32, #tpu.memory_space<vmem>> -> memref<1x80x512xf32, #tpu.memory_space<vmem>>
    %dma_start3A_79 = tpu.memref_squeeze %dma_start3A_78 : memref<1x80x512xf32, #tpu.memory_space<vmem>> -> memref<80x512xf32, #tpu.memory_space<vmem>>
    %dma_start3A_80 = arith.constant 0 : i32
    %dma_start3A_81 = tpu.memref_slice %arg5[%dma_start3A_74, %dma_start3A_80] : memref<2x80xi32, #tpu.memory_space<vmem>> -> memref<1x80xi32, #tpu.memory_space<vmem>>
    %dma_start3A_82 = tpu.memref_squeeze %dma_start3A_81 : memref<1x80xi32, #tpu.memory_space<vmem>> -> memref<80xi32, #tpu.memory_space<vmem>>
    %dma_start3A_83 = arith.constant 0 : i32
    %dma_start3A_84 = arith.constant 0 : i32
    %dma_start3A_85 = tpu.memref_slice %arg2[%dma_start3A_83, %dma_start3A_84] : memref<6272x512xf32, #tpu.memory_space<hbm>> -> memref<6272x512xf32, #tpu.memory_space<hbm>>
    tpu.enqueue_indirect_dma source(%dma_start3A_85 : memref<6272x512xf32, #tpu.memory_space<hbm>>) target(%dma_start3A_79 : memref<80x512xf32, #tpu.memory_space<vmem>>) offsets(%dma_start3A_82 : memref<80xi32, #tpu.memory_space<vmem>>) semaphore(%arg7 : memref<!tpu.dma_semaphore, #tpu.memory_space<semaphore_mem>>)
    %dma_wait3A_86 = arith.constant 1 : i32
    %dma_wait3A_87 = arith.constant 1 : i32
    %dma_wait3A_88 = arith.constant 0 : i32
    %dma_wait3A_89 = arith.constant 0 : i32
    %dma_wait3A_90 = tpu.memref_slice %arg6[%dma_wait3A_87, %dma_wait3A_88, %dma_wait3A_89] : memref<2x80x512xf32, #tpu.memory_space<vmem>> -> memref<1x80x512xf32, #tpu.memory_space<vmem>>
    %dma_wait3A_91 = tpu.memref_squeeze %dma_wait3A_90 : memref<1x80x512xf32, #tpu.memory_space<vmem>> -> memref<80x512xf32, #tpu.memory_space<vmem>>
    %dma_wait3A_92 = arith.constant 0 : i32
    %dma_wait3A_93 = tpu.memref_slice %arg5[%dma_wait3A_86, %dma_wait3A_92] : memref<2x80xi32, #tpu.memory_space<vmem>> -> memref<1x80xi32, #tpu.memory_space<vmem>>
    %dma_wait3A_94 = tpu.memref_squeeze %dma_wait3A_93 : memref<1x80xi32, #tpu.memory_space<vmem>> -> memref<80xi32, #tpu.memory_space<vmem>>
    %dma_wait3A_95 = arith.constant 0 : i32
    %dma_wait3A_96 = arith.constant 0 : i32
    %dma_wait3A_97 = tpu.memref_slice %arg2[%dma_wait3A_95, %dma_wait3A_96] : memref<6272x512xf32, #tpu.memory_space<hbm>> -> memref<6272x512xf32, #tpu.memory_space<hbm>>
    tpu.wait_indirect_dma semaphore(%arg7 : memref<!tpu.dma_semaphore, #tpu.memory_space<semaphore_mem>>) src(%dma_wait3A_97 : memref<6272x512xf32, #tpu.memory_space<hbm>>) dst(%dma_wait3A_91 : memref<80x512xf32, #tpu.memory_space<vmem>>)
    %sub3A_98 = arith.constant 80 : i32
    %sub3A_99 = arith.subi %add3A_59, %sub3A_98 : i32
    %dma_start3A_100 = arith.constant 1 : i32
    %dma_start3A_101 = arith.constant 0 : i32
    %dma_start3A_102 = arith.constant 0 : i32
    %dma_start3A_103 = tpu.memref_slice %arg6[%dma_start3A_100, %dma_start3A_101, %dma_start3A_102] : memref<2x80x512xf32, #tpu.memory_space<vmem>> -> memref<1x80x512xf32, #tpu.memory_space<vmem>>
    %dma_start3A_104 = tpu.memref_squeeze %dma_start3A_103 : memref<1x80x512xf32, #tpu.memory_space<vmem>> -> memref<80x512xf32, #tpu.memory_space<vmem>>
    %dma_start3A_105 = arith.constant 0 : i32
    %dma_start3A_106 = tpu.memref_slice %arg4[%sub3A_99, %dma_start3A_105] : memref<10240x512xf32, #tpu.memory_space<hbm>> -> memref<80x512xf32, #tpu.memory_space<hbm>>
    %dma_start3A_107 = arith.constant 0 : i32
    %dma_start3A_108 = tpu.memref_slice %arg4[%sub3A_99, %dma_start3A_107] : memref<10240x512xf32, #tpu.memory_space<hbm>> -> memref<80x512xf32, #tpu.memory_space<hbm>>
    %dma_start3A_109 = arith.constant 0 : i32
    %dma_start3A_110 = arith.constant 0 : i32
    %dma_start3A_111 = tpu.memref_slice %arg6[%dma_start3A_100, %dma_start3A_109, %dma_start3A_110] : memref<2x80x512xf32, #tpu.memory_space<vmem>> -> memref<1x80x512xf32, #tpu.memory_space<vmem>>
    %dma_start3A_112 = tpu.memref_squeeze %dma_start3A_111 : memref<1x80x512xf32, #tpu.memory_space<vmem>> -> memref<80x512xf32, #tpu.memory_space<vmem>>
    tpu.enqueue_dma source(%dma_start3A_112 : memref<80x512xf32, #tpu.memory_space<vmem>>) target(%dma_start3A_108 : memref<80x512xf32, #tpu.memory_space<hbm>>) target_semaphore(%arg8 : memref<!tpu.dma_semaphore, #tpu.memory_space<semaphore_mem>>)
    %mul3A_113 = arith.constant 320 : i32
    %mul3A_114 = arith.muli %add3A, %mul3A_113 : i32
    %add3A_115 = arith.constant 240 : i32
    %add3A_116 = arith.addi %mul3A_114, %add3A_115 : i32
    %dma_wait3A_117 = arith.constant 1 : i32
    %dma_wait3A_118 = arith.constant 0 : i32
    %dma_wait3A_119 = arith.constant 0 : i32
    %dma_wait3A_120 = tpu.memref_slice %arg6[%dma_wait3A_117, %dma_wait3A_118, %dma_wait3A_119] : memref<2x80x512xf32, #tpu.memory_space<vmem>> -> memref<1x80x512xf32, #tpu.memory_space<vmem>>
    %dma_wait3A_121 = tpu.memref_squeeze %dma_wait3A_120 : memref<1x80x512xf32, #tpu.memory_space<vmem>> -> memref<80x512xf32, #tpu.memory_space<vmem>>
    %dma_wait3A_122 = arith.constant 0 : i32
    %dma_wait3A_123 = tpu.memref_slice %arg4[%sub3A_99, %dma_wait3A_122] : memref<10240x512xf32, #tpu.memory_space<hbm>> -> memref<80x512xf32, #tpu.memory_space<hbm>>
    %dma_wait3A_124 = arith.constant 0 : i32
    %dma_wait3A_125 = tpu.memref_slice %arg4[%sub3A_99, %dma_wait3A_124] : memref<10240x512xf32, #tpu.memory_space<hbm>> -> memref<80x512xf32, #tpu.memory_space<hbm>>
    %dma_wait3A_126 = arith.constant 0 : i32
    %dma_wait3A_127 = arith.constant 0 : i32
    %dma_wait3A_128 = tpu.memref_slice %arg6[%dma_wait3A_117, %dma_wait3A_126, %dma_wait3A_127] : memref<2x80x512xf32, #tpu.memory_space<vmem>> -> memref<1x80x512xf32, #tpu.memory_space<vmem>>
    %dma_wait3A_129 = tpu.memref_squeeze %dma_wait3A_128 : memref<1x80x512xf32, #tpu.memory_space<vmem>> -> memref<80x512xf32, #tpu.memory_space<vmem>>
    tpu.wait_dma2 semaphore(%arg8 : memref<!tpu.dma_semaphore, #tpu.memory_space<semaphore_mem>>) src(%dma_wait3A_129 : memref<80x512xf32, #tpu.memory_space<vmem>>) dst(%dma_wait3A_125 : memref<80x512xf32, #tpu.memory_space<hbm>>)
    %run_scoped3A_130 = arith.constant 1 : i32
    "tpu.region"() ({
      %run_scoped3A_200 = tpu.sem_alloc : memref<!tpu.dma_semaphore, #tpu.memory_space<semaphore_mem>>
      %dma_start3A_201 = arith.constant 0 : i32
      %dma_start3A_202 = tpu.memref_slice %arg5[%run_scoped3A_130, %dma_start3A_201] : memref<2x80xi32, #tpu.memory_space<vmem>> -> memref<1x80xi32, #tpu.memory_space<vmem>>
      %dma_start3A_203 = tpu.memref_squeeze %dma_start3A_202 : memref<1x80xi32, #tpu.memory_space<vmem>> -> memref<80xi32, #tpu.memory_space<vmem>>
      %dma_start3A_204 = tpu.memref_slice %arg3[%add3A_116] : memref<10240xi32, #tpu.memory_space<hbm>> -> memref<80xi32, #tpu.memory_space<hbm>>
      %dma_start3A_205 = arith.constant 0 : i32
      %dma_start3A_206 = tpu.memref_slice %arg5[%run_scoped3A_130, %dma_start3A_205] : memref<2x80xi32, #tpu.memory_space<vmem>> -> memref<1x80xi32, #tpu.memory_space<vmem>>
      %dma_start3A_207 = tpu.memref_squeeze %dma_start3A_206 : memref<1x80xi32, #tpu.memory_space<vmem>> -> memref<80xi32, #tpu.memory_space<vmem>>
      %dma_start3A_208 = tpu.memref_slice %arg3[%add3A_116] : memref<10240xi32, #tpu.memory_space<hbm>> -> memref<80xi32, #tpu.memory_space<hbm>>
      tpu.enqueue_dma source(%dma_start3A_208 : memref<80xi32, #tpu.memory_space<hbm>>) target(%dma_start3A_207 : memref<80xi32, #tpu.memory_space<vmem>>) target_semaphore(%run_scoped3A_200 : memref<!tpu.dma_semaphore, #tpu.memory_space<semaphore_mem>>)
      %dma_wait3A_209 = arith.constant 0 : i32
      %dma_wait3A_210 = tpu.memref_slice %arg5[%run_scoped3A_130, %dma_wait3A_209] : memref<2x80xi32, #tpu.memory_space<vmem>> -> memref<1x80xi32, #tpu.memory_space<vmem>>
      %dma_wait3A_211 = tpu.memref_squeeze %dma_wait3A_210 : memref<1x80xi32, #tpu.memory_space<vmem>> -> memref<80xi32, #tpu.memory_space<vmem>>
      %dma_wait3A_212 = tpu.memref_slice %arg3[%add3A_116] : memref<10240xi32, #tpu.memory_space<hbm>> -> memref<80xi32, #tpu.memory_space<hbm>>
      %dma_wait3A_213 = arith.constant 0 : i32
      %dma_wait3A_214 = tpu.memref_slice %arg5[%run_scoped3A_130, %dma_wait3A_213] : memref<2x80xi32, #tpu.memory_space<vmem>> -> memref<1x80xi32, #tpu.memory_space<vmem>>
      %dma_wait3A_215 = tpu.memref_squeeze %dma_wait3A_214 : memref<1x80xi32, #tpu.memory_space<vmem>> -> memref<80xi32, #tpu.memory_space<vmem>>
      %dma_wait3A_216 = tpu.memref_slice %arg3[%add3A_116] : memref<10240xi32, #tpu.memory_space<hbm>> -> memref<80xi32, #tpu.memory_space<hbm>>
      tpu.wait_dma2 semaphore(%run_scoped3A_200 : memref<!tpu.dma_semaphore, #tpu.memory_space<semaphore_mem>>) src(%dma_wait3A_216 : memref<80xi32, #tpu.memory_space<hbm>>) dst(%dma_wait3A_215 : memref<80xi32, #tpu.memory_space<vmem>>)
      tpu.yield
    }) : () -> ()
    %dma_start3A_131 = arith.constant 1 : i32
    %dma_start3A_132 = arith.constant 1 : i32
    %dma_start3A_133 = arith.constant 0 : i32
    %dma_start3A_134 = arith.constant 0 : i32
    %dma_start3A_135 = tpu.memref_slice %arg6[%dma_start3A_132, %dma_start3A_133, %dma_start3A_134] : memref<2x80x512xf32, #tpu.memory_space<vmem>> -> memref<1x80x512xf32, #tpu.memory_space<vmem>>
    %dma_start3A_136 = tpu.memref_squeeze %dma_start3A_135 : memref<1x80x512xf32, #tpu.memory_space<vmem>> -> memref<80x512xf32, #tpu.memory_space<vmem>>
    %dma_start3A_137 = arith.constant 0 : i32
    %dma_start3A_138 = tpu.memref_slice %arg5[%dma_start3A_131, %dma_start3A_137] : memref<2x80xi32, #tpu.memory_space<vmem>> -> memref<1x80xi32, #tpu.memory_space<vmem>>
    %dma_start3A_139 = tpu.memref_squeeze %dma_start3A_138 : memref<1x80xi32, #tpu.memory_space<vmem>> -> memref<80xi32, #tpu.memory_space<vmem>>
    %dma_start3A_140 = arith.constant 0 : i32
    %dma_start3A_141 = arith.constant 0 : i32
    %dma_start3A_142 = tpu.memref_slice %arg2[%dma_start3A_140, %dma_start3A_141] : memref<6272x512xf32, #tpu.memory_space<hbm>> -> memref<6272x512xf32, #tpu.memory_space<hbm>>
    tpu.enqueue_indirect_dma source(%dma_start3A_142 : memref<6272x512xf32, #tpu.memory_space<hbm>>) target(%dma_start3A_136 : memref<80x512xf32, #tpu.memory_space<vmem>>) offsets(%dma_start3A_139 : memref<80xi32, #tpu.memory_space<vmem>>) semaphore(%arg7 : memref<!tpu.dma_semaphore, #tpu.memory_space<semaphore_mem>>)
    %dma_wait3A_143 = arith.constant 0 : i32
    %dma_wait3A_144 = arith.constant 0 : i32
    %dma_wait3A_145 = arith.constant 0 : i32
    %dma_wait3A_146 = arith.constant 0 : i32
    %dma_wait3A_147 = tpu.memref_slice %arg6[%dma_wait3A_144, %dma_wait3A_145, %dma_wait3A_146] : memref<2x80x512xf32, #tpu.memory_space<vmem>> -> memref<1x80x512xf32, #tpu.memory_space<vmem>>
    %dma_wait3A_148 = tpu.memref_squeeze %dma_wait3A_147 : memref<1x80x512xf32, #tpu.memory_space<vmem>> -> memref<80x512xf32, #tpu.memory_space<vmem>>
    %dma_wait3A_149 = arith.constant 0 : i32
    %dma_wait3A_150 = tpu.memref_slice %arg5[%dma_wait3A_143, %dma_wait3A_149] : memref<2x80xi32, #tpu.memory_space<vmem>> -> memref<1x80xi32, #tpu.memory_space<vmem>>
    %dma_wait3A_151 = tpu.memref_squeeze %dma_wait3A_150 : memref<1x80xi32, #tpu.memory_space<vmem>> -> memref<80xi32, #tpu.memory_space<vmem>>
    %dma_wait3A_152 = arith.constant 0 : i32
    %dma_wait3A_153 = arith.constant 0 : i32
    %dma_wait3A_154 = tpu.memref_slice %arg2[%dma_wait3A_152, %dma_wait3A_153] : memref<6272x512xf32, #tpu.memory_space<hbm>> -> memref<6272x512xf32, #tpu.memory_space<hbm>>
    tpu.wait_indirect_dma semaphore(%arg7 : memref<!tpu.dma_semaphore, #tpu.memory_space<semaphore_mem>>) src(%dma_wait3A_154 : memref<6272x512xf32, #tpu.memory_space<hbm>>) dst(%dma_wait3A_148 : memref<80x512xf32, #tpu.memory_space<vmem>>)
    %sub3A_155 = arith.constant 80 : i32
    %sub3A_156 = arith.subi %add3A_116, %sub3A_155 : i32
    %dma_start3A_157 = arith.constant 0 : i32
    %dma_start3A_158 = arith.constant 0 : i32
    %dma_start3A_159 = arith.constant 0 : i32
    %dma_start3A_160 = tpu.memref_slice %arg6[%dma_start3A_157, %dma_start3A_158, %dma_start3A_159] : memref<2x80x512xf32, #tpu.memory_space<vmem>> -> memref<1x80x512xf32, #tpu.memory_space<vmem>>
    %dma_start3A_161 = tpu.memref_squeeze %dma_start3A_160 : memref<1x80x512xf32, #tpu.memory_space<vmem>> -> memref<80x512xf32, #tpu.memory_space<vmem>>
    %dma_start3A_162 = arith.constant 0 : i32
    %dma_start3A_163 = tpu.memref_slice %arg4[%sub3A_156, %dma_start3A_162] : memref<10240x512xf32, #tpu.memory_space<hbm>> -> memref<80x512xf32, #tpu.memory_space<hbm>>
    %dma_start3A_164 = arith.constant 0 : i32
    %dma_start3A_165 = tpu.memref_slice %arg4[%sub3A_156, %dma_start3A_164] : memref<10240x512xf32, #tpu.memory_space<hbm>> -> memref<80x512xf32, #tpu.memory_space<hbm>>
    %dma_start3A_166 = arith.constant 0 : i32
    %dma_start3A_167 = arith.constant 0 : i32
    %dma_start3A_168 = tpu.memref_slice %arg6[%dma_start3A_157, %dma_start3A_166, %dma_start3A_167] : memref<2x80x512xf32, #tpu.memory_space<vmem>> -> memref<1x80x512xf32, #tpu.memory_space<vmem>>
    %dma_start3A_169 = tpu.memref_squeeze %dma_start3A_168 : memref<1x80x512xf32, #tpu.memory_space<vmem>> -> memref<80x512xf32, #tpu.memory_space<vmem>>
    tpu.enqueue_dma source(%dma_start3A_169 : memref<80x512xf32, #tpu.memory_space<vmem>>) target(%dma_start3A_165 : memref<80x512xf32, #tpu.memory_space<hbm>>) target_semaphore(%arg8 : memref<!tpu.dma_semaphore, #tpu.memory_space<semaphore_mem>>)
    %dma_wait3A_170 = arith.constant 1 : i32
    %dma_wait3A_171 = arith.constant 1 : i32
    %dma_wait3A_172 = arith.constant 0 : i32
    %dma_wait3A_173 = arith.constant 0 : i32
    %dma_wait3A_174 = tpu.memref_slice %arg6[%dma_wait3A_171, %dma_wait3A_172, %dma_wait3A_173] : memref<2x80x512xf32, #tpu.memory_space<vmem>> -> memref<1x80x512xf32, #tpu.memory_space<vmem>>
    %dma_wait3A_175 = tpu.memref_squeeze %dma_wait3A_174 : memref<1x80x512xf32, #tpu.memory_space<vmem>> -> memref<80x512xf32, #tpu.memory_space<vmem>>
    %dma_wait3A_176 = arith.constant 0 : i32
    %dma_wait3A_177 = tpu.memref_slice %arg5[%dma_wait3A_170, %dma_wait3A_176] : memref<2x80xi32, #tpu.memory_space<vmem>> -> memref<1x80xi32, #tpu.memory_space<vmem>>
    %dma_wait3A_178 = tpu.memref_squeeze %dma_wait3A_177 : memref<1x80xi32, #tpu.memory_space<vmem>> -> memref<80xi32, #tpu.memory_space<vmem>>
    %dma_wait3A_179 = arith.constant 0 : i32
    %dma_wait3A_180 = arith.constant 0 : i32
    %dma_wait3A_181 = tpu.memref_slice %arg2[%dma_wait3A_179, %dma_wait3A_180] : memref<6272x512xf32, #tpu.memory_space<hbm>> -> memref<6272x512xf32, #tpu.memory_space<hbm>>
    tpu.wait_indirect_dma semaphore(%arg7 : memref<!tpu.dma_semaphore, #tpu.memory_space<semaphore_mem>>) src(%dma_wait3A_181 : memref<6272x512xf32, #tpu.memory_space<hbm>>) dst(%dma_wait3A_175 : memref<80x512xf32, #tpu.memory_space<vmem>>)
    %dma_wait3A_182 = arith.constant 0 : i32
    %dma_wait3A_183 = arith.constant 0 : i32
    %dma_wait3A_184 = arith.constant 0 : i32
    %dma_wait3A_185 = tpu.memref_slice %arg6[%dma_wait3A_182, %dma_wait3A_183, %dma_wait3A_184] : memref<2x80x512xf32, #tpu.memory_space<vmem>> -> memref<1x80x512xf32, #tpu.memory_space<vmem>>
    %dma_wait3A_186 = tpu.memref_squeeze %dma_wait3A_185 : memref<1x80x512xf32, #tpu.memory_space<vmem>> -> memref<80x512xf32, #tpu.memory_space<vmem>>
    %dma_wait3A_187 = arith.constant 0 : i32
    %dma_wait3A_188 = tpu.memref_slice %arg4[%sub3A_156, %dma_wait3A_187] : memref<10240x512xf32, #tpu.memory_space<hbm>> -> memref<80x512xf32, #tpu.memory_space<hbm>>
    %dma_wait3A_189 = arith.constant 0 : i32
    %dma_wait3A_190 = tpu.memref_slice %arg4[%sub3A_156, %dma_wait3A_189] : memref<10240x512xf32, #tpu.memory_space<hbm>> -> memref<80x512xf32, #tpu.memory_space<hbm>>
    %dma_wait3A_191 = arith.constant 0 : i32
    %dma_wait3A_192 = arith.constant 0 : i32
    %dma_wait3A_193 = tpu.memref_slice %arg6[%dma_wait3A_182, %dma_wait3A_191, %dma_wait3A_192] : memref<2x80x512xf32, #tpu.memory_space<vmem>> -> memref<1x80x512xf32, #tpu.memory_space<vmem>>
    %dma_wait3A_194 = tpu.memref_squeeze %dma_wait3A_193 : memref<1x80x512xf32, #tpu.memory_space<vmem>> -> memref<80x512xf32, #tpu.memory_space<vmem>>
    tpu.wait_dma2 semaphore(%arg8 : memref<!tpu.dma_semaphore, #tpu.memory_space<semaphore_mem>>) src(%dma_wait3A_194 : memref<80x512xf32, #tpu.memory_space<vmem>>) dst(%dma_wait3A_190 : memref<80x512xf32, #tpu.memory_space<hbm>>)
    %mul3A_195 = arith.constant 320 : i32
    %mul3A_196 = arith.muli %add3A, %mul3A_195 : i32
    %add3A_197 = arith.constant 240 : i32
    %add3A_198 = arith.addi %mul3A_196, %add3A_197 : i32
    %run_scoped3A_199 = arith.constant 1 : i32
    "tpu.region"() ({
      %run_scoped3A_200 = tpu.sem_alloc : memref<!tpu.dma_semaphore, #tpu.memory_space<semaphore_mem>>
      %dma_start3A_201 = arith.constant 0 : i32
      %dma_start3A_202 = arith.constant 0 : i32
      %dma_start3A_203 = tpu.memref_slice %arg6[%run_scoped3A_199, %dma_start3A_201, %dma_start3A_202] : memref<2x80x512xf32, #tpu.memory_space<vmem>> -> memref<1x80x512xf32, #tpu.memory_space<vmem>>
      %dma_start3A_204 = tpu.memref_squeeze %dma_start3A_203 : memref<1x80x512xf32, #tpu.memory_space<vmem>> -> memref<80x512xf32, #tpu.memory_space<vmem>>
      %dma_start3A_205 = arith.constant 0 : i32
      %dma_start3A_206 = tpu.memref_slice %arg4[%add3A_198, %dma_start3A_205] : memref<10240x512xf32, #tpu.memory_space<hbm>> -> memref<80x512xf32, #tpu.memory_space<hbm>>
      %dma_start3A_207 = arith.constant 0 : i32
      %dma_start3A_208 = tpu.memref_slice %arg4[%add3A_198, %dma_start3A_207] : memref<10240x512xf32, #tpu.memory_space<hbm>> -> memref<80x512xf32, #tpu.memory_space<hbm>>
      %dma_start3A_209 = arith.constant 0 : i32
      %dma_start3A_210 = arith.constant 0 : i32
      %dma_start3A_211 = tpu.memref_slice %arg6[%run_scoped3A_199, %dma_start3A_209, %dma_start3A_210] : memref<2x80x512xf32, #tpu.memory_space<vmem>> -> memref<1x80x512xf32, #tpu.memory_space<vmem>>
      %dma_start3A_212 = tpu.memref_squeeze %dma_start3A_211 : memref<1x80x512xf32, #tpu.memory_space<vmem>> -> memref<80x512xf32, #tpu.memory_space<vmem>>
      tpu.enqueue_dma source(%dma_start3A_212 : memref<80x512xf32, #tpu.memory_space<vmem>>) target(%dma_start3A_208 : memref<80x512xf32, #tpu.memory_space<hbm>>) target_semaphore(%run_scoped3A_200 : memref<!tpu.dma_semaphore, #tpu.memory_space<semaphore_mem>>)
      %dma_wait3A_213 = arith.constant 0 : i32
      %dma_wait3A_214 = arith.constant 0 : i32
      %dma_wait3A_215 = tpu.memref_slice %arg6[%run_scoped3A_199, %dma_wait3A_213, %dma_wait3A_214] : memref<2x80x512xf32, #tpu.memory_space<vmem>> -> memref<1x80x512xf32, #tpu.memory_space<vmem>>
      %dma_wait3A_216 = tpu.memref_squeeze %dma_wait3A_215 : memref<1x80x512xf32, #tpu.memory_space<vmem>> -> memref<80x512xf32, #tpu.memory_space<vmem>>
      %dma_wait3A_217 = arith.constant 0 : i32
      %dma_wait3A_218 = tpu.memref_slice %arg4[%add3A_198, %dma_wait3A_217] : memref<10240x512xf32, #tpu.memory_space<hbm>> -> memref<80x512xf32, #tpu.memory_space<hbm>>
      %dma_wait3A_219 = arith.constant 0 : i32
      %dma_wait3A_220 = tpu.memref_slice %arg4[%add3A_198, %dma_wait3A_219] : memref<10240x512xf32, #tpu.memory_space<hbm>> -> memref<80x512xf32, #tpu.memory_space<hbm>>
      %dma_wait3A_221 = arith.constant 0 : i32
      %dma_wait3A_222 = arith.constant 0 : i32
      %dma_wait3A_223 = tpu.memref_slice %arg6[%run_scoped3A_199, %dma_wait3A_221, %dma_wait3A_222] : memref<2x80x512xf32, #tpu.memory_space<vmem>> -> memref<1x80x512xf32, #tpu.memory_space<vmem>>
      %dma_wait3A_224 = tpu.memref_squeeze %dma_wait3A_223 : memref<1x80x512xf32, #tpu.memory_space<vmem>> -> memref<80x512xf32, #tpu.memory_space<vmem>>
      tpu.wait_dma2 semaphore(%run_scoped3A_200 : memref<!tpu.dma_semaphore, #tpu.memory_space<semaphore_mem>>) src(%dma_wait3A_224 : memref<80x512xf32, #tpu.memory_space<vmem>>) dst(%dma_wait3A_220 : memref<80x512xf32, #tpu.memory_space<hbm>>)
      tpu.yield
    }) : () -> ()
    return
  }
}

module attributes {stable_mosaic.version = 14 : i64} {
  func.func @_p2_body(%arg0: i32, %arg1: memref<128x6272xf32, #tpu.memory_space<vmem>>, %arg2: memref<128x10xi32, #tpu.memory_space<vmem>>) attributes {dimension_semantics = [#tpu.dimension_semantics<arbitrary>], iteration_bounds = array<i64: 8>, scalar_prefetch = 0 : i64, scratch_operands = 0 : i64, tpu.core_type = #tpu.core_type<tc>, window_params = [{transform_indices = @transform_0, window_bounds = array<i64: 128, 6272>}, {transform_indices = @transform_1, window_bounds = array<i64: 128, 10>}]} {
    %get3A = arith.constant 0 : index
    %get3A_0 = arith.constant 0 : index
    %get3A_1 = vector.load %arg1[%get3A, %get3A_0] : memref<128x6272xf32, #tpu.memory_space<vmem>>, vector<128x6272xf32>
    %iota3A = tpu.iota {dimensions = array<i32: 1>} : vector<128x6272xi32>
    %reduce_max3A = arith.constant dense<0xFF800000> : vector<128xf32>
    %reduce_max3A_2 = vector.multi_reduction <maximumf>, %get3A_1, %reduce_max3A [1] : vector<128x6272xf32> to vector<128xf32>
    %broadcast_in_dim3A = vector.shape_cast %reduce_max3A_2 : vector<128xf32> to vector<128x1xf32>
    %eq3A = vector.broadcast %broadcast_in_dim3A : vector<128x1xf32> to vector<128x6272xf32>
    %eq3A_3 = arith.cmpf oeq, %get3A_1, %eq3A : vector<128x6272xf32>
    %jit3A = arith.constant 1073741824 : i32
    %broadcast_in_dim3A_4 = vector.broadcast %jit3A : i32 to vector<128x6272xi32>
    %select_n3A = arith.select %eq3A_3, %iota3A, %broadcast_in_dim3A_4 : vector<128x6272xi1>, vector<128x6272xi32>
    %reduce_min3A = arith.constant dense<2147483647> : vector<128xi32>
    %reduce_min3A_5 = vector.multi_reduction <minsi>, %select_n3A, %reduce_min3A [1] : vector<128x6272xi32> to vector<128xi32>
    %broadcast_in_dim3A_6 = vector.shape_cast %reduce_min3A_5 : vector<128xi32> to vector<128x1xi32>
    %eq3A_7 = vector.broadcast %broadcast_in_dim3A_6 : vector<128x1xi32> to vector<128x6272xi32>
    %eq3A_8 = arith.cmpi eq, %iota3A, %eq3A_7 : vector<128x6272xi32>
    %jit3A_9 = arith.constant 0xFF800000 : f32
    %broadcast_in_dim3A_10 = vector.broadcast %jit3A_9 : f32 to vector<128x6272xf32>
    %select_n3A_11 = arith.select %eq3A_8, %broadcast_in_dim3A_10, %get3A_1 : vector<128x6272xi1>, vector<128x6272xf32>
    %reduce_max3A_12 = arith.constant dense<0xFF800000> : vector<128xf32>
    %reduce_max3A_13 = vector.multi_reduction <maximumf>, %select_n3A_11, %reduce_max3A_12 [1] : vector<128x6272xf32> to vector<128xf32>
    %broadcast_in_dim3A_14 = vector.shape_cast %reduce_max3A_13 : vector<128xf32> to vector<128x1xf32>
    %eq3A_15 = vector.broadcast %broadcast_in_dim3A_14 : vector<128x1xf32> to vector<128x6272xf32>
    %eq3A_16 = arith.cmpf oeq, %select_n3A_11, %eq3A_15 : vector<128x6272xf32>
    %jit3A_17 = arith.constant 1073741824 : i32
    %broadcast_in_dim3A_18 = vector.broadcast %jit3A_17 : i32 to vector<128x6272xi32>
    %select_n3A_19 = arith.select %eq3A_16, %iota3A, %broadcast_in_dim3A_18 : vector<128x6272xi1>, vector<128x6272xi32>
    %reduce_min3A_20 = arith.constant dense<2147483647> : vector<128xi32>
    %reduce_min3A_21 = vector.multi_reduction <minsi>, %select_n3A_19, %reduce_min3A_20 [1] : vector<128x6272xi32> to vector<128xi32>
    %broadcast_in_dim3A_22 = vector.shape_cast %reduce_min3A_21 : vector<128xi32> to vector<128x1xi32>
    %eq3A_23 = vector.broadcast %broadcast_in_dim3A_22 : vector<128x1xi32> to vector<128x6272xi32>
    %eq3A_24 = arith.cmpi eq, %iota3A, %eq3A_23 : vector<128x6272xi32>
    %jit3A_25 = arith.constant 0xFF800000 : f32
    %broadcast_in_dim3A_26 = vector.broadcast %jit3A_25 : f32 to vector<128x6272xf32>
    %select_n3A_27 = arith.select %eq3A_24, %broadcast_in_dim3A_26, %select_n3A_11 : vector<128x6272xi1>, vector<128x6272xf32>
    %reduce_max3A_28 = arith.constant dense<0xFF800000> : vector<128xf32>
    %reduce_max3A_29 = vector.multi_reduction <maximumf>, %select_n3A_27, %reduce_max3A_28 [1] : vector<128x6272xf32> to vector<128xf32>
    %broadcast_in_dim3A_30 = vector.shape_cast %reduce_max3A_29 : vector<128xf32> to vector<128x1xf32>
    %eq3A_31 = vector.broadcast %broadcast_in_dim3A_30 : vector<128x1xf32> to vector<128x6272xf32>
    %eq3A_32 = arith.cmpf oeq, %select_n3A_27, %eq3A_31 : vector<128x6272xf32>
    %jit3A_33 = arith.constant 1073741824 : i32
    %broadcast_in_dim3A_34 = vector.broadcast %jit3A_33 : i32 to vector<128x6272xi32>
    %select_n3A_35 = arith.select %eq3A_32, %iota3A, %broadcast_in_dim3A_34 : vector<128x6272xi1>, vector<128x6272xi32>
    %reduce_min3A_36 = arith.constant dense<2147483647> : vector<128xi32>
    %reduce_min3A_37 = vector.multi_reduction <minsi>, %select_n3A_35, %reduce_min3A_36 [1] : vector<128x6272xi32> to vector<128xi32>
    %broadcast_in_dim3A_38 = vector.shape_cast %reduce_min3A_37 : vector<128xi32> to vector<128x1xi32>
    %eq3A_39 = vector.broadcast %broadcast_in_dim3A_38 : vector<128x1xi32> to vector<128x6272xi32>
    %eq3A_40 = arith.cmpi eq, %iota3A, %eq3A_39 : vector<128x6272xi32>
    %jit3A_41 = arith.constant 0xFF800000 : f32
    %broadcast_in_dim3A_42 = vector.broadcast %jit3A_41 : f32 to vector<128x6272xf32>
    %select_n3A_43 = arith.select %eq3A_40, %broadcast_in_dim3A_42, %select_n3A_27 : vector<128x6272xi1>, vector<128x6272xf32>
    %reduce_max3A_44 = arith.constant dense<0xFF800000> : vector<128xf32>
    %reduce_max3A_45 = vector.multi_reduction <maximumf>, %select_n3A_43, %reduce_max3A_44 [1] : vector<128x6272xf32> to vector<128xf32>
    %broadcast_in_dim3A_46 = vector.shape_cast %reduce_max3A_45 : vector<128xf32> to vector<128x1xf32>
    %eq3A_47 = vector.broadcast %broadcast_in_dim3A_46 : vector<128x1xf32> to vector<128x6272xf32>
    %eq3A_48 = arith.cmpf oeq, %select_n3A_43, %eq3A_47 : vector<128x6272xf32>
    %jit3A_49 = arith.constant 1073741824 : i32
    %broadcast_in_dim3A_50 = vector.broadcast %jit3A_49 : i32 to vector<128x6272xi32>
    %select_n3A_51 = arith.select %eq3A_48, %iota3A, %broadcast_in_dim3A_50 : vector<128x6272xi1>, vector<128x6272xi32>
    %reduce_min3A_52 = arith.constant dense<2147483647> : vector<128xi32>
    %reduce_min3A_53 = vector.multi_reduction <minsi>, %select_n3A_51, %reduce_min3A_52 [1] : vector<128x6272xi32> to vector<128xi32>
    %broadcast_in_dim3A_54 = vector.shape_cast %reduce_min3A_53 : vector<128xi32> to vector<128x1xi32>
    %eq3A_55 = vector.broadcast %broadcast_in_dim3A_54 : vector<128x1xi32> to vector<128x6272xi32>
    %eq3A_56 = arith.cmpi eq, %iota3A, %eq3A_55 : vector<128x6272xi32>
    %jit3A_57 = arith.constant 0xFF800000 : f32
    %broadcast_in_dim3A_58 = vector.broadcast %jit3A_57 : f32 to vector<128x6272xf32>
    %select_n3A_59 = arith.select %eq3A_56, %broadcast_in_dim3A_58, %select_n3A_43 : vector<128x6272xi1>, vector<128x6272xf32>
    %reduce_max3A_60 = arith.constant dense<0xFF800000> : vector<128xf32>
    %reduce_max3A_61 = vector.multi_reduction <maximumf>, %select_n3A_59, %reduce_max3A_60 [1] : vector<128x6272xf32> to vector<128xf32>
    %broadcast_in_dim3A_62 = vector.shape_cast %reduce_max3A_61 : vector<128xf32> to vector<128x1xf32>
    %eq3A_63 = vector.broadcast %broadcast_in_dim3A_62 : vector<128x1xf32> to vector<128x6272xf32>
    %eq3A_64 = arith.cmpf oeq, %select_n3A_59, %eq3A_63 : vector<128x6272xf32>
    %jit3A_65 = arith.constant 1073741824 : i32
    %broadcast_in_dim3A_66 = vector.broadcast %jit3A_65 : i32 to vector<128x6272xi32>
    %select_n3A_67 = arith.select %eq3A_64, %iota3A, %broadcast_in_dim3A_66 : vector<128x6272xi1>, vector<128x6272xi32>
    %reduce_min3A_68 = arith.constant dense<2147483647> : vector<128xi32>
    %reduce_min3A_69 = vector.multi_reduction <minsi>, %select_n3A_67, %reduce_min3A_68 [1] : vector<128x6272xi32> to vector<128xi32>
    %broadcast_in_dim3A_70 = vector.shape_cast %reduce_min3A_69 : vector<128xi32> to vector<128x1xi32>
    %eq3A_71 = vector.broadcast %broadcast_in_dim3A_70 : vector<128x1xi32> to vector<128x6272xi32>
    %eq3A_72 = arith.cmpi eq, %iota3A, %eq3A_71 : vector<128x6272xi32>
    %jit3A_73 = arith.constant 0xFF800000 : f32
    %broadcast_in_dim3A_74 = vector.broadcast %jit3A_73 : f32 to vector<128x6272xf32>
    %select_n3A_75 = arith.select %eq3A_72, %broadcast_in_dim3A_74, %select_n3A_59 : vector<128x6272xi1>, vector<128x6272xf32>
    %reduce_max3A_76 = arith.constant dense<0xFF800000> : vector<128xf32>
    %reduce_max3A_77 = vector.multi_reduction <maximumf>, %select_n3A_75, %reduce_max3A_76 [1] : vector<128x6272xf32> to vector<128xf32>
    %broadcast_in_dim3A_78 = vector.shape_cast %reduce_max3A_77 : vector<128xf32> to vector<128x1xf32>
    %eq3A_79 = vector.broadcast %broadcast_in_dim3A_78 : vector<128x1xf32> to vector<128x6272xf32>
    %eq3A_80 = arith.cmpf oeq, %select_n3A_75, %eq3A_79 : vector<128x6272xf32>
    %jit3A_81 = arith.constant 1073741824 : i32
    %broadcast_in_dim3A_82 = vector.broadcast %jit3A_81 : i32 to vector<128x6272xi32>
    %select_n3A_83 = arith.select %eq3A_80, %iota3A, %broadcast_in_dim3A_82 : vector<128x6272xi1>, vector<128x6272xi32>
    %reduce_min3A_84 = arith.constant dense<2147483647> : vector<128xi32>
    %reduce_min3A_85 = vector.multi_reduction <minsi>, %select_n3A_83, %reduce_min3A_84 [1] : vector<128x6272xi32> to vector<128xi32>
    %broadcast_in_dim3A_86 = vector.shape_cast %reduce_min3A_85 : vector<128xi32> to vector<128x1xi32>
    %eq3A_87 = vector.broadcast %broadcast_in_dim3A_86 : vector<128x1xi32> to vector<128x6272xi32>
    %eq3A_88 = arith.cmpi eq, %iota3A, %eq3A_87 : vector<128x6272xi32>
    %jit3A_89 = arith.constant 0xFF800000 : f32
    %broadcast_in_dim3A_90 = vector.broadcast %jit3A_89 : f32 to vector<128x6272xf32>
    %select_n3A_91 = arith.select %eq3A_88, %broadcast_in_dim3A_90, %select_n3A_75 : vector<128x6272xi1>, vector<128x6272xf32>
    %reduce_max3A_92 = arith.constant dense<0xFF800000> : vector<128xf32>
    %reduce_max3A_93 = vector.multi_reduction <maximumf>, %select_n3A_91, %reduce_max3A_92 [1] : vector<128x6272xf32> to vector<128xf32>
    %broadcast_in_dim3A_94 = vector.shape_cast %reduce_max3A_93 : vector<128xf32> to vector<128x1xf32>
    %eq3A_95 = vector.broadcast %broadcast_in_dim3A_94 : vector<128x1xf32> to vector<128x6272xf32>
    %eq3A_96 = arith.cmpf oeq, %select_n3A_91, %eq3A_95 : vector<128x6272xf32>
    %jit3A_97 = arith.constant 1073741824 : i32
    %broadcast_in_dim3A_98 = vector.broadcast %jit3A_97 : i32 to vector<128x6272xi32>
    %select_n3A_99 = arith.select %eq3A_96, %iota3A, %broadcast_in_dim3A_98 : vector<128x6272xi1>, vector<128x6272xi32>
    %reduce_min3A_100 = arith.constant dense<2147483647> : vector<128xi32>
    %reduce_min3A_101 = vector.multi_reduction <minsi>, %select_n3A_99, %reduce_min3A_100 [1] : vector<128x6272xi32> to vector<128xi32>
    %broadcast_in_dim3A_102 = vector.shape_cast %reduce_min3A_101 : vector<128xi32> to vector<128x1xi32>
    %eq3A_103 = vector.broadcast %broadcast_in_dim3A_102 : vector<128x1xi32> to vector<128x6272xi32>
    %eq3A_104 = arith.cmpi eq, %iota3A, %eq3A_103 : vector<128x6272xi32>
    %jit3A_105 = arith.constant 0xFF800000 : f32
    %broadcast_in_dim3A_106 = vector.broadcast %jit3A_105 : f32 to vector<128x6272xf32>
    %select_n3A_107 = arith.select %eq3A_104, %broadcast_in_dim3A_106, %select_n3A_91 : vector<128x6272xi1>, vector<128x6272xf32>
    %reduce_max3A_108 = arith.constant dense<0xFF800000> : vector<128xf32>
    %reduce_max3A_109 = vector.multi_reduction <maximumf>, %select_n3A_107, %reduce_max3A_108 [1] : vector<128x6272xf32> to vector<128xf32>
    %broadcast_in_dim3A_110 = vector.shape_cast %reduce_max3A_109 : vector<128xf32> to vector<128x1xf32>
    %eq3A_111 = vector.broadcast %broadcast_in_dim3A_110 : vector<128x1xf32> to vector<128x6272xf32>
    %eq3A_112 = arith.cmpf oeq, %select_n3A_107, %eq3A_111 : vector<128x6272xf32>
    %jit3A_113 = arith.constant 1073741824 : i32
    %broadcast_in_dim3A_114 = vector.broadcast %jit3A_113 : i32 to vector<128x6272xi32>
    %select_n3A_115 = arith.select %eq3A_112, %iota3A, %broadcast_in_dim3A_114 : vector<128x6272xi1>, vector<128x6272xi32>
    %reduce_min3A_116 = arith.constant dense<2147483647> : vector<128xi32>
    %reduce_min3A_117 = vector.multi_reduction <minsi>, %select_n3A_115, %reduce_min3A_116 [1] : vector<128x6272xi32> to vector<128xi32>
    %broadcast_in_dim3A_118 = vector.shape_cast %reduce_min3A_117 : vector<128xi32> to vector<128x1xi32>
    %eq3A_119 = vector.broadcast %broadcast_in_dim3A_118 : vector<128x1xi32> to vector<128x6272xi32>
    %eq3A_120 = arith.cmpi eq, %iota3A, %eq3A_119 : vector<128x6272xi32>
    %jit3A_121 = arith.constant 0xFF800000 : f32
    %broadcast_in_dim3A_122 = vector.broadcast %jit3A_121 : f32 to vector<128x6272xf32>
    %select_n3A_123 = arith.select %eq3A_120, %broadcast_in_dim3A_122, %select_n3A_107 : vector<128x6272xi1>, vector<128x6272xf32>
    %reduce_max3A_124 = arith.constant dense<0xFF800000> : vector<128xf32>
    %reduce_max3A_125 = vector.multi_reduction <maximumf>, %select_n3A_123, %reduce_max3A_124 [1] : vector<128x6272xf32> to vector<128xf32>
    %broadcast_in_dim3A_126 = vector.shape_cast %reduce_max3A_125 : vector<128xf32> to vector<128x1xf32>
    %eq3A_127 = vector.broadcast %broadcast_in_dim3A_126 : vector<128x1xf32> to vector<128x6272xf32>
    %eq3A_128 = arith.cmpf oeq, %select_n3A_123, %eq3A_127 : vector<128x6272xf32>
    %jit3A_129 = arith.constant 1073741824 : i32
    %broadcast_in_dim3A_130 = vector.broadcast %jit3A_129 : i32 to vector<128x6272xi32>
    %select_n3A_131 = arith.select %eq3A_128, %iota3A, %broadcast_in_dim3A_130 : vector<128x6272xi1>, vector<128x6272xi32>
    %reduce_min3A_132 = arith.constant dense<2147483647> : vector<128xi32>
    %reduce_min3A_133 = vector.multi_reduction <minsi>, %select_n3A_131, %reduce_min3A_132 [1] : vector<128x6272xi32> to vector<128xi32>
    %broadcast_in_dim3A_134 = vector.shape_cast %reduce_min3A_133 : vector<128xi32> to vector<128x1xi32>
    %eq3A_135 = vector.broadcast %broadcast_in_dim3A_134 : vector<128x1xi32> to vector<128x6272xi32>
    %eq3A_136 = arith.cmpi eq, %iota3A, %eq3A_135 : vector<128x6272xi32>
    %jit3A_137 = arith.constant 0xFF800000 : f32
    %broadcast_in_dim3A_138 = vector.broadcast %jit3A_137 : f32 to vector<128x6272xf32>
    %select_n3A_139 = arith.select %eq3A_136, %broadcast_in_dim3A_138, %select_n3A_123 : vector<128x6272xi1>, vector<128x6272xf32>
    %reduce_max3A_140 = arith.constant dense<0xFF800000> : vector<128xf32>
    %reduce_max3A_141 = vector.multi_reduction <maximumf>, %select_n3A_139, %reduce_max3A_140 [1] : vector<128x6272xf32> to vector<128xf32>
    %broadcast_in_dim3A_142 = vector.shape_cast %reduce_max3A_141 : vector<128xf32> to vector<128x1xf32>
    %eq3A_143 = vector.broadcast %broadcast_in_dim3A_142 : vector<128x1xf32> to vector<128x6272xf32>
    %eq3A_144 = arith.cmpf oeq, %select_n3A_139, %eq3A_143 : vector<128x6272xf32>
    %jit3A_145 = arith.constant 1073741824 : i32
    %broadcast_in_dim3A_146 = vector.broadcast %jit3A_145 : i32 to vector<128x6272xi32>
    %select_n3A_147 = arith.select %eq3A_144, %iota3A, %broadcast_in_dim3A_146 : vector<128x6272xi1>, vector<128x6272xi32>
    %reduce_min3A_148 = arith.constant dense<2147483647> : vector<128xi32>
    %reduce_min3A_149 = vector.multi_reduction <minsi>, %select_n3A_147, %reduce_min3A_148 [1] : vector<128x6272xi32> to vector<128xi32>
    %broadcast_in_dim3A_150 = vector.shape_cast %reduce_min3A_149 : vector<128xi32> to vector<128x1xi32>
    %concatenate3A = tpu.concatenate %broadcast_in_dim3A_6, %broadcast_in_dim3A_22, %broadcast_in_dim3A_38, %broadcast_in_dim3A_54, %broadcast_in_dim3A_70, %broadcast_in_dim3A_86, %broadcast_in_dim3A_102, %broadcast_in_dim3A_118, %broadcast_in_dim3A_134, %broadcast_in_dim3A_150 in 1 : vector<128x1xi32>, vector<128x1xi32>, vector<128x1xi32>, vector<128x1xi32>, vector<128x1xi32>, vector<128x1xi32>, vector<128x1xi32>, vector<128x1xi32>, vector<128x1xi32>, vector<128x1xi32> -> vector<128x10xi32>
    %swap3A = arith.constant 0 : index
    %swap3A_151 = arith.constant 0 : index
    %swap3A_152 = vector.load %arg2[%swap3A, %swap3A_151] : memref<128x10xi32, #tpu.memory_space<vmem>>, vector<128x10xi32>
    tpu.vector_store %arg2[%swap3A, %swap3A_151], %concatenate3A {strides = array<i32>} : memref<128x10xi32, #tpu.memory_space<vmem>>, vector<128x10xi32>,
    return
  }
  func.func @transform_0(%arg0: i32) -> (i32, i32) {
    %c0_i32 = arith.constant 0 : i32
    %c0_i32_0 = arith.constant 0 : i32
    return %arg0, %c0_i32 : i32, i32
  }
  func.func @transform_1(%arg0: i32) -> (i32, i32) {
    %c0_i32 = arith.constant 0 : i32
    %c0_i32_0 = arith.constant 0 : i32
    return %arg0, %c0_i32 : i32, i32
  }
}

module attributes {stable_mosaic.version = 14 : i64} {
  func.func @_p1_body(%arg0: i32, %arg1: memref<1024x32xf32, #tpu.memory_space<vmem>>, %arg2: memref<2048x32xf32, #tpu.memory_space<vmem>>, %arg3: memref<1024x128xf32, #tpu.memory_space<vmem>>, %arg4: memref<128x512xf32, #tpu.memory_space<vmem>>) attributes {dimension_semantics = [#tpu.dimension_semantics<arbitrary>], iteration_bounds = array<i64: 49>, scalar_prefetch = 0 : i64, scratch_operands = 0 : i64, tpu.core_type = #tpu.core_type<tc>, window_params = [{pipeline_mode = #tpu.pipeline_mode<synchronous>, transform_indices = @transform_0, window_bounds = array<i64: 1024, 32>}, {transform_indices = @transform_1, window_bounds = array<i64: 2048, 32>}, {transform_indices = @transform_2, window_bounds = array<i64: 1024, 128>}, {transform_indices = @transform_3, window_bounds = array<i64: 128, 512>}]} {
    %get3A = arith.constant 0 : index
    %get3A_0 = arith.constant 0 : index
    %get3A_1 = vector.load %arg2[%get3A, %get3A_0] : memref<2048x32xf32, #tpu.memory_space<vmem>>, vector<2048x32xf32>
    %get3A_2 = arith.constant 0 : index
    %get3A_3 = arith.constant 0 : index
    %get3A_4 = vector.load %arg1[%get3A_2, %get3A_3] : memref<1024x32xf32, #tpu.memory_space<vmem>>, vector<1024x32xf32>
    %dot_general3A = arith.constant dense<0.000000e+00> : vector<1024x2048xf32>
    %dot_general3A_5 = tpu.matmul %get3A_4, %get3A_1, %dot_general3A {dimension_numbers = #tpu.dot_dimension_numbers<[1], [1], [0], [0], [0, 0, 1, 0], [], []>, transpose_lhs_hint = false} : vector<1024x32xf32>, vector<2048x32xf32>, vector<1024x2048xf32> -> vector<1024x2048xf32>
    %iota3A = tpu.iota {dimensions = array<i32: 1>} : vector<1x128xi32>
    %slice3A = vector.extract_strided_slice %dot_general3A_5 {offsets = [0, 0], sizes = [1024, 128], strides = [1, 1]} : vector<1024x2048xf32> to vector<1024x128xf32>
    %mul3A = arith.constant 2048 : i32
    %mul3A_6 = arith.muli %arg0, %mul3A : i32
    %add3A = arith.constant 0 : i32
    %add3A_7 = arith.addi %mul3A_6, %add3A : i32
    %add3A_8 = vector.broadcast %add3A_7 : i32 to vector<1x128xi32>
    %add3A_9 = arith.addi %add3A_8, %iota3A : vector<1x128xi32>
    %lt3A = arith.constant 100000 : i32
    %lt3A_10 = vector.broadcast %lt3A : i32 to vector<1x128xi32>
    %lt3A_11 = arith.cmpi slt, %add3A_9, %lt3A_10 : vector<1x128xi32>
    %jit3A = arith.constant 0xFF800000 : f32
    %broadcast_in_dim3A = vector.shape_cast %lt3A_11 : vector<1x128xi1> to vector<1x128xi1>
    %broadcast_in_dim3A_12 = vector.broadcast %broadcast_in_dim3A : vector<1x128xi1> to vector<1024x128xi1>
    %broadcast_in_dim3A_13 = vector.broadcast %jit3A : f32 to vector<1024x128xf32>
    %select_n3A = arith.select %broadcast_in_dim3A_12, %slice3A, %broadcast_in_dim3A_13 : vector<1024x128xi1>, vector<1024x128xf32>
    %slice3A_14 = vector.extract_strided_slice %dot_general3A_5 {offsets = [0, 128], sizes = [1024, 128], strides = [1, 1]} : vector<1024x2048xf32> to vector<1024x128xf32>
    %mul3A_15 = arith.constant 2048 : i32
    %mul3A_16 = arith.muli %arg0, %mul3A_15 : i32
    %add3A_17 = arith.constant 128 : i32
    %add3A_18 = arith.addi %mul3A_16, %add3A_17 : i32
    %add3A_19 = vector.broadcast %add3A_18 : i32 to vector<1x128xi32>
    %add3A_20 = arith.addi %add3A_19, %iota3A : vector<1x128xi32>
    %lt3A_21 = arith.constant 100000 : i32
    %lt3A_22 = vector.broadcast %lt3A_21 : i32 to vector<1x128xi32>
    %lt3A_23 = arith.cmpi slt, %add3A_20, %lt3A_22 : vector<1x128xi32>
    %jit3A_24 = arith.constant 0xFF800000 : f32
    %broadcast_in_dim3A_25 = vector.shape_cast %lt3A_23 : vector<1x128xi1> to vector<1x128xi1>
    %broadcast_in_dim3A_26 = vector.broadcast %broadcast_in_dim3A_25 : vector<1x128xi1> to vector<1024x128xi1>
    %broadcast_in_dim3A_27 = vector.broadcast %jit3A_24 : f32 to vector<1024x128xf32>
    %select_n3A_28 = arith.select %broadcast_in_dim3A_26, %slice3A_14, %broadcast_in_dim3A_27 : vector<1024x128xi1>, vector<1024x128xf32>
    %max3A = arith.maximumf %select_n3A, %select_n3A_28 : vector<1024x128xf32>
    %slice3A_29 = vector.extract_strided_slice %dot_general3A_5 {offsets = [0, 256], sizes = [1024, 128], strides = [1, 1]} : vector<1024x2048xf32> to vector<1024x128xf32>
    %mul3A_30 = arith.constant 2048 : i32
    %mul3A_31 = arith.muli %arg0, %mul3A_30 : i32
    %add3A_32 = arith.constant 256 : i32
    %add3A_33 = arith.addi %mul3A_31, %add3A_32 : i32
    %add3A_34 = vector.broadcast %add3A_33 : i32 to vector<1x128xi32>
    %add3A_35 = arith.addi %add3A_34, %iota3A : vector<1x128xi32>
    %lt3A_36 = arith.constant 100000 : i32
    %lt3A_37 = vector.broadcast %lt3A_36 : i32 to vector<1x128xi32>
    %lt3A_38 = arith.cmpi slt, %add3A_35, %lt3A_37 : vector<1x128xi32>
    %jit3A_39 = arith.constant 0xFF800000 : f32
    %broadcast_in_dim3A_40 = vector.shape_cast %lt3A_38 : vector<1x128xi1> to vector<1x128xi1>
    %broadcast_in_dim3A_41 = vector.broadcast %broadcast_in_dim3A_40 : vector<1x128xi1> to vector<1024x128xi1>
    %broadcast_in_dim3A_42 = vector.broadcast %jit3A_39 : f32 to vector<1024x128xf32>
    %select_n3A_43 = arith.select %broadcast_in_dim3A_41, %slice3A_29, %broadcast_in_dim3A_42 : vector<1024x128xi1>, vector<1024x128xf32>
    %max3A_44 = arith.maximumf %max3A, %select_n3A_43 : vector<1024x128xf32>
    %slice3A_45 = vector.extract_strided_slice %dot_general3A_5 {offsets = [0, 384], sizes = [1024, 128], strides = [1, 1]} : vector<1024x2048xf32> to vector<1024x128xf32>
    %mul3A_46 = arith.constant 2048 : i32
    %mul3A_47 = arith.muli %arg0, %mul3A_46 : i32
    %add3A_48 = arith.constant 384 : i32
    %add3A_49 = arith.addi %mul3A_47, %add3A_48 : i32
    %add3A_50 = vector.broadcast %add3A_49 : i32 to vector<1x128xi32>
    %add3A_51 = arith.addi %add3A_50, %iota3A : vector<1x128xi32>
    %lt3A_52 = arith.constant 100000 : i32
    %lt3A_53 = vector.broadcast %lt3A_52 : i32 to vector<1x128xi32>
    %lt3A_54 = arith.cmpi slt, %add3A_51, %lt3A_53 : vector<1x128xi32>
    %jit3A_55 = arith.constant 0xFF800000 : f32
    %broadcast_in_dim3A_56 = vector.shape_cast %lt3A_54 : vector<1x128xi1> to vector<1x128xi1>
    %broadcast_in_dim3A_57 = vector.broadcast %broadcast_in_dim3A_56 : vector<1x128xi1> to vector<1024x128xi1>
    %broadcast_in_dim3A_58 = vector.broadcast %jit3A_55 : f32 to vector<1024x128xf32>
    %select_n3A_59 = arith.select %broadcast_in_dim3A_57, %slice3A_45, %broadcast_in_dim3A_58 : vector<1024x128xi1>, vector<1024x128xf32>
    %max3A_60 = arith.maximumf %max3A_44, %select_n3A_59 : vector<1024x128xf32>
    %slice3A_61 = vector.extract_strided_slice %dot_general3A_5 {offsets = [0, 512], sizes = [1024, 128], strides = [1, 1]} : vector<1024x2048xf32> to vector<1024x128xf32>
    %mul3A_62 = arith.constant 2048 : i32
    %mul3A_63 = arith.muli %arg0, %mul3A_62 : i32
    %add3A_64 = arith.constant 512 : i32
    %add3A_65 = arith.addi %mul3A_63, %add3A_64 : i32
    %add3A_66 = vector.broadcast %add3A_65 : i32 to vector<1x128xi32>
    %add3A_67 = arith.addi %add3A_66, %iota3A : vector<1x128xi32>
    %lt3A_68 = arith.constant 100000 : i32
    %lt3A_69 = vector.broadcast %lt3A_68 : i32 to vector<1x128xi32>
    %lt3A_70 = arith.cmpi slt, %add3A_67, %lt3A_69 : vector<1x128xi32>
    %jit3A_71 = arith.constant 0xFF800000 : f32
    %broadcast_in_dim3A_72 = vector.shape_cast %lt3A_70 : vector<1x128xi1> to vector<1x128xi1>
    %broadcast_in_dim3A_73 = vector.broadcast %broadcast_in_dim3A_72 : vector<1x128xi1> to vector<1024x128xi1>
    %broadcast_in_dim3A_74 = vector.broadcast %jit3A_71 : f32 to vector<1024x128xf32>
    %select_n3A_75 = arith.select %broadcast_in_dim3A_73, %slice3A_61, %broadcast_in_dim3A_74 : vector<1024x128xi1>, vector<1024x128xf32>
    %max3A_76 = arith.maximumf %max3A_60, %select_n3A_75 : vector<1024x128xf32>
    %slice3A_77 = vector.extract_strided_slice %dot_general3A_5 {offsets = [0, 640], sizes = [1024, 128], strides = [1, 1]} : vector<1024x2048xf32> to vector<1024x128xf32>
    %mul3A_78 = arith.constant 2048 : i32
    %mul3A_79 = arith.muli %arg0, %mul3A_78 : i32
    %add3A_80 = arith.constant 640 : i32
    %add3A_81 = arith.addi %mul3A_79, %add3A_80 : i32
    %add3A_82 = vector.broadcast %add3A_81 : i32 to vector<1x128xi32>
    %add3A_83 = arith.addi %add3A_82, %iota3A : vector<1x128xi32>
    %lt3A_84 = arith.constant 100000 : i32
    %lt3A_85 = vector.broadcast %lt3A_84 : i32 to vector<1x128xi32>
    %lt3A_86 = arith.cmpi slt, %add3A_83, %lt3A_85 : vector<1x128xi32>
    %jit3A_87 = arith.constant 0xFF800000 : f32
    %broadcast_in_dim3A_88 = vector.shape_cast %lt3A_86 : vector<1x128xi1> to vector<1x128xi1>
    %broadcast_in_dim3A_89 = vector.broadcast %broadcast_in_dim3A_88 : vector<1x128xi1> to vector<1024x128xi1>
    %broadcast_in_dim3A_90 = vector.broadcast %jit3A_87 : f32 to vector<1024x128xf32>
    %select_n3A_91 = arith.select %broadcast_in_dim3A_89, %slice3A_77, %broadcast_in_dim3A_90 : vector<1024x128xi1>, vector<1024x128xf32>
    %max3A_92 = arith.maximumf %max3A_76, %select_n3A_91 : vector<1024x128xf32>
    %slice3A_93 = vector.extract_strided_slice %dot_general3A_5 {offsets = [0, 768], sizes = [1024, 128], strides = [1, 1]} : vector<1024x2048xf32> to vector<1024x128xf32>
    %mul3A_94 = arith.constant 2048 : i32
    %mul3A_95 = arith.muli %arg0, %mul3A_94 : i32
    %add3A_96 = arith.constant 768 : i32
    %add3A_97 = arith.addi %mul3A_95, %add3A_96 : i32
    %add3A_98 = vector.broadcast %add3A_97 : i32 to vector<1x128xi32>
    %add3A_99 = arith.addi %add3A_98, %iota3A : vector<1x128xi32>
    %lt3A_100 = arith.constant 100000 : i32
    %lt3A_101 = vector.broadcast %lt3A_100 : i32 to vector<1x128xi32>
    %lt3A_102 = arith.cmpi slt, %add3A_99, %lt3A_101 : vector<1x128xi32>
    %jit3A_103 = arith.constant 0xFF800000 : f32
    %broadcast_in_dim3A_104 = vector.shape_cast %lt3A_102 : vector<1x128xi1> to vector<1x128xi1>
    %broadcast_in_dim3A_105 = vector.broadcast %broadcast_in_dim3A_104 : vector<1x128xi1> to vector<1024x128xi1>
    %broadcast_in_dim3A_106 = vector.broadcast %jit3A_103 : f32 to vector<1024x128xf32>
    %select_n3A_107 = arith.select %broadcast_in_dim3A_105, %slice3A_93, %broadcast_in_dim3A_106 : vector<1024x128xi1>, vector<1024x128xf32>
    %max3A_108 = arith.maximumf %max3A_92, %select_n3A_107 : vector<1024x128xf32>
    %slice3A_109 = vector.extract_strided_slice %dot_general3A_5 {offsets = [0, 896], sizes = [1024, 128], strides = [1, 1]} : vector<1024x2048xf32> to vector<1024x128xf32>
    %mul3A_110 = arith.constant 2048 : i32
    %mul3A_111 = arith.muli %arg0, %mul3A_110 : i32
    %add3A_112 = arith.constant 896 : i32
    %add3A_113 = arith.addi %mul3A_111, %add3A_112 : i32
    %add3A_114 = vector.broadcast %add3A_113 : i32 to vector<1x128xi32>
    %add3A_115 = arith.addi %add3A_114, %iota3A : vector<1x128xi32>
    %lt3A_116 = arith.constant 100000 : i32
    %lt3A_117 = vector.broadcast %lt3A_116 : i32 to vector<1x128xi32>
    %lt3A_118 = arith.cmpi slt, %add3A_115, %lt3A_117 : vector<1x128xi32>
    %jit3A_119 = arith.constant 0xFF800000 : f32
    %broadcast_in_dim3A_120 = vector.shape_cast %lt3A_118 : vector<1x128xi1> to vector<1x128xi1>
    %broadcast_in_dim3A_121 = vector.broadcast %broadcast_in_dim3A_120 : vector<1x128xi1> to vector<1024x128xi1>
    %broadcast_in_dim3A_122 = vector.broadcast %jit3A_119 : f32 to vector<1024x128xf32>
    %select_n3A_123 = arith.select %broadcast_in_dim3A_121, %slice3A_109, %broadcast_in_dim3A_122 : vector<1024x128xi1>, vector<1024x128xf32>
    %max3A_124 = arith.maximumf %max3A_108, %select_n3A_123 : vector<1024x128xf32>
    %slice3A_125 = vector.extract_strided_slice %dot_general3A_5 {offsets = [0, 1024], sizes = [1024, 128], strides = [1, 1]} : vector<1024x2048xf32> to vector<1024x128xf32>
    %mul3A_126 = arith.constant 2048 : i32
    %mul3A_127 = arith.muli %arg0, %mul3A_126 : i32
    %add3A_128 = arith.constant 1024 : i32
    %add3A_129 = arith.addi %mul3A_127, %add3A_128 : i32
    %add3A_130 = vector.broadcast %add3A_129 : i32 to vector<1x128xi32>
    %add3A_131 = arith.addi %add3A_130, %iota3A : vector<1x128xi32>
    %lt3A_132 = arith.constant 100000 : i32
    %lt3A_133 = vector.broadcast %lt3A_132 : i32 to vector<1x128xi32>
    %lt3A_134 = arith.cmpi slt, %add3A_131, %lt3A_133 : vector<1x128xi32>
    %jit3A_135 = arith.constant 0xFF800000 : f32
    %broadcast_in_dim3A_136 = vector.shape_cast %lt3A_134 : vector<1x128xi1> to vector<1x128xi1>
    %broadcast_in_dim3A_137 = vector.broadcast %broadcast_in_dim3A_136 : vector<1x128xi1> to vector<1024x128xi1>
    %broadcast_in_dim3A_138 = vector.broadcast %jit3A_135 : f32 to vector<1024x128xf32>
    %select_n3A_139 = arith.select %broadcast_in_dim3A_137, %slice3A_125, %broadcast_in_dim3A_138 : vector<1024x128xi1>, vector<1024x128xf32>
    %max3A_140 = arith.maximumf %max3A_124, %select_n3A_139 : vector<1024x128xf32>
    %slice3A_141 = vector.extract_strided_slice %dot_general3A_5 {offsets = [0, 1152], sizes = [1024, 128], strides = [1, 1]} : vector<1024x2048xf32> to vector<1024x128xf32>
    %mul3A_142 = arith.constant 2048 : i32
    %mul3A_143 = arith.muli %arg0, %mul3A_142 : i32
    %add3A_144 = arith.constant 1152 : i32
    %add3A_145 = arith.addi %mul3A_143, %add3A_144 : i32
    %add3A_146 = vector.broadcast %add3A_145 : i32 to vector<1x128xi32>
    %add3A_147 = arith.addi %add3A_146, %iota3A : vector<1x128xi32>
    %lt3A_148 = arith.constant 100000 : i32
    %lt3A_149 = vector.broadcast %lt3A_148 : i32 to vector<1x128xi32>
    %lt3A_150 = arith.cmpi slt, %add3A_147, %lt3A_149 : vector<1x128xi32>
    %jit3A_151 = arith.constant 0xFF800000 : f32
    %broadcast_in_dim3A_152 = vector.shape_cast %lt3A_150 : vector<1x128xi1> to vector<1x128xi1>
    %broadcast_in_dim3A_153 = vector.broadcast %broadcast_in_dim3A_152 : vector<1x128xi1> to vector<1024x128xi1>
    %broadcast_in_dim3A_154 = vector.broadcast %jit3A_151 : f32 to vector<1024x128xf32>
    %select_n3A_155 = arith.select %broadcast_in_dim3A_153, %slice3A_141, %broadcast_in_dim3A_154 : vector<1024x128xi1>, vector<1024x128xf32>
    %max3A_156 = arith.maximumf %max3A_140, %select_n3A_155 : vector<1024x128xf32>
    %slice3A_157 = vector.extract_strided_slice %dot_general3A_5 {offsets = [0, 1280], sizes = [1024, 128], strides = [1, 1]} : vector<1024x2048xf32> to vector<1024x128xf32>
    %mul3A_158 = arith.constant 2048 : i32
    %mul3A_159 = arith.muli %arg0, %mul3A_158 : i32
    %add3A_160 = arith.constant 1280 : i32
    %add3A_161 = arith.addi %mul3A_159, %add3A_160 : i32
    %add3A_162 = vector.broadcast %add3A_161 : i32 to vector<1x128xi32>
    %add3A_163 = arith.addi %add3A_162, %iota3A : vector<1x128xi32>
    %lt3A_164 = arith.constant 100000 : i32
    %lt3A_165 = vector.broadcast %lt3A_164 : i32 to vector<1x128xi32>
    %lt3A_166 = arith.cmpi slt, %add3A_163, %lt3A_165 : vector<1x128xi32>
    %jit3A_167 = arith.constant 0xFF800000 : f32
    %broadcast_in_dim3A_168 = vector.shape_cast %lt3A_166 : vector<1x128xi1> to vector<1x128xi1>
    %broadcast_in_dim3A_169 = vector.broadcast %broadcast_in_dim3A_168 : vector<1x128xi1> to vector<1024x128xi1>
    %broadcast_in_dim3A_170 = vector.broadcast %jit3A_167 : f32 to vector<1024x128xf32>
    %select_n3A_171 = arith.select %broadcast_in_dim3A_169, %slice3A_157, %broadcast_in_dim3A_170 : vector<1024x128xi1>, vector<1024x128xf32>
    %max3A_172 = arith.maximumf %max3A_156, %select_n3A_171 : vector<1024x128xf32>
    %slice3A_173 = vector.extract_strided_slice %dot_general3A_5 {offsets = [0, 1408], sizes = [1024, 128], strides = [1, 1]} : vector<1024x2048xf32> to vector<1024x128xf32>
    %mul3A_174 = arith.constant 2048 : i32
    %mul3A_175 = arith.muli %arg0, %mul3A_174 : i32
    %add3A_176 = arith.constant 1408 : i32
    %add3A_177 = arith.addi %mul3A_175, %add3A_176 : i32
    %add3A_178 = vector.broadcast %add3A_177 : i32 to vector<1x128xi32>
    %add3A_179 = arith.addi %add3A_178, %iota3A : vector<1x128xi32>
    %lt3A_180 = arith.constant 100000 : i32
    %lt3A_181 = vector.broadcast %lt3A_180 : i32 to vector<1x128xi32>
    %lt3A_182 = arith.cmpi slt, %add3A_179, %lt3A_181 : vector<1x128xi32>
    %jit3A_183 = arith.constant 0xFF800000 : f32
    %broadcast_in_dim3A_184 = vector.shape_cast %lt3A_182 : vector<1x128xi1> to vector<1x128xi1>
    %broadcast_in_dim3A_185 = vector.broadcast %broadcast_in_dim3A_184 : vector<1x128xi1> to vector<1024x128xi1>
    %broadcast_in_dim3A_186 = vector.broadcast %jit3A_183 : f32 to vector<1024x128xf32>
    %select_n3A_187 = arith.select %broadcast_in_dim3A_185, %slice3A_173, %broadcast_in_dim3A_186 : vector<1024x128xi1>, vector<1024x128xf32>
    %max3A_188 = arith.maximumf %max3A_172, %select_n3A_187 : vector<1024x128xf32>
    %slice3A_189 = vector.extract_strided_slice %dot_general3A_5 {offsets = [0, 1536], sizes = [1024, 128], strides = [1, 1]} : vector<1024x2048xf32> to vector<1024x128xf32>
    %mul3A_190 = arith.constant 2048 : i32
    %mul3A_191 = arith.muli %arg0, %mul3A_190 : i32
    %add3A_192 = arith.constant 1536 : i32
    %add3A_193 = arith.addi %mul3A_191, %add3A_192 : i32
    %add3A_194 = vector.broadcast %add3A_193 : i32 to vector<1x128xi32>
    %add3A_195 = arith.addi %add3A_194, %iota3A : vector<1x128xi32>
    %lt3A_196 = arith.constant 100000 : i32
    %lt3A_197 = vector.broadcast %lt3A_196 : i32 to vector<1x128xi32>
    %lt3A_198 = arith.cmpi slt, %add3A_195, %lt3A_197 : vector<1x128xi32>
    %jit3A_199 = arith.constant 0xFF800000 : f32
    %broadcast_in_dim3A_200 = vector.shape_cast %lt3A_198 : vector<1x128xi1> to vector<1x128xi1>
    %broadcast_in_dim3A_201 = vector.broadcast %broadcast_in_dim3A_200 : vector<1x128xi1> to vector<1024x128xi1>
    %broadcast_in_dim3A_202 = vector.broadcast %jit3A_199 : f32 to vector<1024x128xf32>
    %select_n3A_203 = arith.select %broadcast_in_dim3A_201, %slice3A_189, %broadcast_in_dim3A_202 : vector<1024x128xi1>, vector<1024x128xf32>
    %max3A_204 = arith.maximumf %max3A_188, %select_n3A_203 : vector<1024x128xf32>
    %slice3A_205 = vector.extract_strided_slice %dot_general3A_5 {offsets = [0, 1664], sizes = [1024, 128], strides = [1, 1]} : vector<1024x2048xf32> to vector<1024x128xf32>
    %mul3A_206 = arith.constant 2048 : i32
    %mul3A_207 = arith.muli %arg0, %mul3A_206 : i32
    %add3A_208 = arith.constant 1664 : i32
    %add3A_209 = arith.addi %mul3A_207, %add3A_208 : i32
    %add3A_210 = vector.broadcast %add3A_209 : i32 to vector<1x128xi32>
    %add3A_211 = arith.addi %add3A_210, %iota3A : vector<1x128xi32>
    %lt3A_212 = arith.constant 100000 : i32
    %lt3A_213 = vector.broadcast %lt3A_212 : i32 to vector<1x128xi32>
    %lt3A_214 = arith.cmpi slt, %add3A_211, %lt3A_213 : vector<1x128xi32>
    %jit3A_215 = arith.constant 0xFF800000 : f32
    %broadcast_in_dim3A_216 = vector.shape_cast %lt3A_214 : vector<1x128xi1> to vector<1x128xi1>
    %broadcast_in_dim3A_217 = vector.broadcast %broadcast_in_dim3A_216 : vector<1x128xi1> to vector<1024x128xi1>
    %broadcast_in_dim3A_218 = vector.broadcast %jit3A_215 : f32 to vector<1024x128xf32>
    %select_n3A_219 = arith.select %broadcast_in_dim3A_217, %slice3A_205, %broadcast_in_dim3A_218 : vector<1024x128xi1>, vector<1024x128xf32>
    %max3A_220 = arith.maximumf %max3A_204, %select_n3A_219 : vector<1024x128xf32>
    %slice3A_221 = vector.extract_strided_slice %dot_general3A_5 {offsets = [0, 1792], sizes = [1024, 128], strides = [1, 1]} : vector<1024x2048xf32> to vector<1024x128xf32>
    %mul3A_222 = arith.constant 2048 : i32
    %mul3A_223 = arith.muli %arg0, %mul3A_222 : i32
    %add3A_224 = arith.constant 1792 : i32
    %add3A_225 = arith.addi %mul3A_223, %add3A_224 : i32
    %add3A_226 = vector.broadcast %add3A_225 : i32 to vector<1x128xi32>
    %add3A_227 = arith.addi %add3A_226, %iota3A : vector<1x128xi32>
    %lt3A_228 = arith.constant 100000 : i32
    %lt3A_229 = vector.broadcast %lt3A_228 : i32 to vector<1x128xi32>
    %lt3A_230 = arith.cmpi slt, %add3A_227, %lt3A_229 : vector<1x128xi32>
    %jit3A_231 = arith.constant 0xFF800000 : f32
    %broadcast_in_dim3A_232 = vector.shape_cast %lt3A_230 : vector<1x128xi1> to vector<1x128xi1>
    %broadcast_in_dim3A_233 = vector.broadcast %broadcast_in_dim3A_232 : vector<1x128xi1> to vector<1024x128xi1>
    %broadcast_in_dim3A_234 = vector.broadcast %jit3A_231 : f32 to vector<1024x128xf32>
    %select_n3A_235 = arith.select %broadcast_in_dim3A_233, %slice3A_221, %broadcast_in_dim3A_234 : vector<1024x128xi1>, vector<1024x128xf32>
    %max3A_236 = arith.maximumf %max3A_220, %select_n3A_235 : vector<1024x128xf32>
    %slice3A_237 = vector.extract_strided_slice %dot_general3A_5 {offsets = [0, 1920], sizes = [1024, 128], strides = [1, 1]} : vector<1024x2048xf32> to vector<1024x128xf32>
    %mul3A_238 = arith.constant 2048 : i32
    %mul3A_239 = arith.muli %arg0, %mul3A_238 : i32
    %add3A_240 = arith.constant 1920 : i32
    %add3A_241 = arith.addi %mul3A_239, %add3A_240 : i32
    %add3A_242 = vector.broadcast %add3A_241 : i32 to vector<1x128xi32>
    %add3A_243 = arith.addi %add3A_242, %iota3A : vector<1x128xi32>
    %lt3A_244 = arith.constant 100000 : i32
    %lt3A_245 = vector.broadcast %lt3A_244 : i32 to vector<1x128xi32>
    %lt3A_246 = arith.cmpi slt, %add3A_243, %lt3A_245 : vector<1x128xi32>
    %jit3A_247 = arith.constant 0xFF800000 : f32
    %broadcast_in_dim3A_248 = vector.shape_cast %lt3A_246 : vector<1x128xi1> to vector<1x128xi1>
    %broadcast_in_dim3A_249 = vector.broadcast %broadcast_in_dim3A_248 : vector<1x128xi1> to vector<1024x128xi1>
    %broadcast_in_dim3A_250 = vector.broadcast %jit3A_247 : f32 to vector<1024x128xf32>
    %select_n3A_251 = arith.select %broadcast_in_dim3A_249, %slice3A_237, %broadcast_in_dim3A_250 : vector<1024x128xi1>, vector<1024x128xf32>
    %max3A_252 = arith.maximumf %max3A_236, %select_n3A_251 : vector<1024x128xf32>
    %swap3A = arith.constant 0 : index
    %swap3A_253 = arith.constant 0 : index
    %swap3A_254 = vector.load %arg3[%swap3A, %swap3A_253] : memref<1024x128xf32, #tpu.memory_space<vmem>>, vector<1024x128xf32>
    tpu.vector_store %arg3[%swap3A, %swap3A_253], %max3A_252 {strides = array<i32>} : memref<1024x128xf32, #tpu.memory_space<vmem>>, vector<1024x128xf32>,
    %slice3A_255 = vector.extract_strided_slice %get3A_1 {offsets = [0, 0], sizes = [128, 32], strides = [1, 1]} : vector<2048x32xf32> to vector<128x32xf32>
    %slice3A_256 = vector.extract_strided_slice %get3A_1 {offsets = [128, 0], sizes = [128, 32], strides = [1, 1]} : vector<2048x32xf32> to vector<128x32xf32>
    %slice3A_257 = vector.extract_strided_slice %get3A_1 {offsets = [256, 0], sizes = [128, 32], strides = [1, 1]} : vector<2048x32xf32> to vector<128x32xf32>
    %slice3A_258 = vector.extract_strided_slice %get3A_1 {offsets = [384, 0], sizes = [128, 32], strides = [1, 1]} : vector<2048x32xf32> to vector<128x32xf32>
    %slice3A_259 = vector.extract_strided_slice %get3A_1 {offsets = [512, 0], sizes = [128, 32], strides = [1, 1]} : vector<2048x32xf32> to vector<128x32xf32>
    %slice3A_260 = vector.extract_strided_slice %get3A_1 {offsets = [640, 0], sizes = [128, 32], strides = [1, 1]} : vector<2048x32xf32> to vector<128x32xf32>
    %slice3A_261 = vector.extract_strided_slice %get3A_1 {offsets = [768, 0], sizes = [128, 32], strides = [1, 1]} : vector<2048x32xf32> to vector<128x32xf32>
    %slice3A_262 = vector.extract_strided_slice %get3A_1 {offsets = [896, 0], sizes = [128, 32], strides = [1, 1]} : vector<2048x32xf32> to vector<128x32xf32>
    %slice3A_263 = vector.extract_strided_slice %get3A_1 {offsets = [1024, 0], sizes = [128, 32], strides = [1, 1]} : vector<2048x32xf32> to vector<128x32xf32>
    %slice3A_264 = vector.extract_strided_slice %get3A_1 {offsets = [1152, 0], sizes = [128, 32], strides = [1, 1]} : vector<2048x32xf32> to vector<128x32xf32>
    %slice3A_265 = vector.extract_strided_slice %get3A_1 {offsets = [1280, 0], sizes = [128, 32], strides = [1, 1]} : vector<2048x32xf32> to vector<128x32xf32>
    %slice3A_266 = vector.extract_strided_slice %get3A_1 {offsets = [1408, 0], sizes = [128, 32], strides = [1, 1]} : vector<2048x32xf32> to vector<128x32xf32>
    %slice3A_267 = vector.extract_strided_slice %get3A_1 {offsets = [1536, 0], sizes = [128, 32], strides = [1, 1]} : vector<2048x32xf32> to vector<128x32xf32>
    %slice3A_268 = vector.extract_strided_slice %get3A_1 {offsets = [1664, 0], sizes = [128, 32], strides = [1, 1]} : vector<2048x32xf32> to vector<128x32xf32>
    %slice3A_269 = vector.extract_strided_slice %get3A_1 {offsets = [1792, 0], sizes = [128, 32], strides = [1, 1]} : vector<2048x32xf32> to vector<128x32xf32>
    %slice3A_270 = vector.extract_strided_slice %get3A_1 {offsets = [1920, 0], sizes = [128, 32], strides = [1, 1]} : vector<2048x32xf32> to vector<128x32xf32>
    %concatenate3A = tpu.concatenate %slice3A_255, %slice3A_256, %slice3A_257, %slice3A_258, %slice3A_259, %slice3A_260, %slice3A_261, %slice3A_262, %slice3A_263, %slice3A_264, %slice3A_265, %slice3A_266, %slice3A_267, %slice3A_268, %slice3A_269, %slice3A_270 in 1 : vector<128x32xf32>, vector<128x32xf32>, vector<128x32xf32>, vector<128x32xf32>, vector<128x32xf32>, vector<128x32xf32>, vector<128x32xf32>, vector<128x32xf32>, vector<128x32xf32>, vector<128x32xf32>, vector<128x32xf32>, vector<128x32xf32>, vector<128x32xf32>, vector<128x32xf32>, vector<128x32xf32>, vector<128x32xf32> -> vector<128x512xf32>
    %swap3A_271 = arith.constant 0 : index
    %swap3A_272 = arith.constant 0 : index
    %swap3A_273 = vector.load %arg4[%swap3A_271, %swap3A_272] : memref<128x512xf32, #tpu.memory_space<vmem>>, vector<128x512xf32>
    tpu.vector_store %arg4[%swap3A_271, %swap3A_272], %concatenate3A {strides = array<i32>} : memref<128x512xf32, #tpu.memory_space<vmem>>, vector<128x512xf32>,
    return
  }
  func.func @transform_0(%arg0: i32) -> (i32, i32) {
    %c0_i32 = arith.constant 0 : i32
    %c0_i32_0 = arith.constant 0 : i32
    %c0_i32_1 = arith.constant 0 : i32
    return %c0_i32, %c0_i32_0 : i32, i32
  }
  func.func @transform_1(%arg0: i32) -> (i32, i32) {
    %c0_i32 = arith.constant 0 : i32
    %c0_i32_0 = arith.constant 0 : i32
    return %arg0, %c0_i32 : i32, i32
  }
  func.func @transform_2(%arg0: i32) -> (i32, i32) {
    %c0_i32 = arith.constant 0 : i32
    %c0_i32_0 = arith.constant 0 : i32
    return %c0_i32, %arg0 : i32, i32
  }
  func.func @transform_3(%arg0: i32) -> (i32, i32) {
    %c0_i32 = arith.constant 0 : i32
    %c0_i32_0 = arith.constant 0 : i32
    return %arg0, %c0_i32 : i32, i32
  }
}

module attributes {stable_mosaic.version = 14 : i64} {
  func.func @_p4_body(%arg0: i32, %arg1: memref<256x32xf32, #tpu.memory_space<vmem>>, %arg2: memref<2560x512xf32, #tpu.memory_space<vmem>>, %arg3: memref<256x160xi32, #tpu.memory_space<vmem>>, %arg4: memref<256x10xf32, #tpu.memory_space<vmem>>, %arg5: memref<256x10xi32, #tpu.memory_space<vmem>>) attributes {dimension_semantics = [#tpu.dimension_semantics<arbitrary>], iteration_bounds = array<i64: 4>, scalar_prefetch = 0 : i64, scratch_operands = 0 : i64, tpu.core_type = #tpu.core_type<tc>, window_params = [{transform_indices = @transform_0, window_bounds = array<i64: 256, 32>}, {transform_indices = @transform_1, window_bounds = array<i64: 2560, 512>}, {transform_indices = @transform_2, window_bounds = array<i64: 256, 160>}, {transform_indices = @transform_3, window_bounds = array<i64: 256, 10>}, {transform_indices = @transform_4, window_bounds = array<i64: 256, 10>}]} {
    %get3A = arith.constant 0 : index
    %get3A_0 = arith.constant 0 : index
    %get3A_1 = vector.load %arg2[%get3A, %get3A_0] : memref<2560x512xf32, #tpu.memory_space<vmem>>, vector<2560x512xf32>
    %get3A_2 = arith.constant 0 : index
    %get3A_3 = arith.constant 0 : index
    %get3A_4 = vector.load %arg1[%get3A_2, %get3A_3] : memref<256x32xf32, #tpu.memory_space<vmem>>, vector<256x32xf32>
    %iota3A = tpu.iota {dimensions = array<i32: 0>} : vector<256x256x10xi32>
    %iota3A_5 = tpu.iota {dimensions = array<i32: 1>} : vector<256x256x10xi32>
    %eq3A = arith.cmpi eq, %iota3A, %iota3A_5 : vector<256x256x10xi32>
    %slice3A = vector.extract_strided_slice %get3A_1 {offsets = [0, 0], sizes = [2560, 32], strides = [1, 1]} : vector<2560x512xf32> to vector<2560x32xf32>
    %dot_general3A = arith.constant dense<0.000000e+00> : vector<256x2560xf32>
    %dot_general3A_6 = tpu.matmul %get3A_4, %slice3A, %dot_general3A {dimension_numbers = #tpu.dot_dimension_numbers<[1], [1], [0], [0], [0, 0, 1, 0], [], []>, transpose_lhs_hint = false} : vector<256x32xf32>, vector<2560x32xf32>, vector<256x2560xf32> -> vector<256x2560xf32>
    %reshape3A = vector.shape_cast %dot_general3A_6 : vector<256x2560xf32> to vector<256x256x10xf32>
    %jit3A = arith.constant 0xFF800000 : f32
    %broadcast_in_dim3A = vector.broadcast %jit3A : f32 to vector<256x256x10xf32>
    %select_n3A = arith.select %eq3A, %reshape3A, %broadcast_in_dim3A : vector<256x256x10xi1>, vector<256x256x10xf32>
    %reduce_max3A = arith.constant dense<0xFF800000> : vector<256x10xf32>
    %reduce_max3A_7 = vector.multi_reduction <maximumf>, %select_n3A, %reduce_max3A [1] : vector<256x256x10xf32> to vector<256x10xf32>
    %slice3A_8 = vector.extract_strided_slice %get3A_1 {offsets = [0, 32], sizes = [2560, 32], strides = [1, 1]} : vector<2560x512xf32> to vector<2560x32xf32>
    %dot_general3A_9 = arith.constant dense<0.000000e+00> : vector<256x2560xf32>
    %dot_general3A_10 = tpu.matmul %get3A_4, %slice3A_8, %dot_general3A_9 {dimension_numbers = #tpu.dot_dimension_numbers<[1], [1], [0], [0], [0, 0, 1, 0], [], []>, transpose_lhs_hint = false} : vector<256x32xf32>, vector<2560x32xf32>, vector<256x2560xf32> -> vector<256x2560xf32>
    %reshape3A_11 = vector.shape_cast %dot_general3A_10 : vector<256x2560xf32> to vector<256x256x10xf32>
    %jit3A_12 = arith.constant 0xFF800000 : f32
    %broadcast_in_dim3A_13 = vector.broadcast %jit3A_12 : f32 to vector<256x256x10xf32>
    %select_n3A_14 = arith.select %eq3A, %reshape3A_11, %broadcast_in_dim3A_13 : vector<256x256x10xi1>, vector<256x256x10xf32>
    %reduce_max3A_15 = arith.constant dense<0xFF800000> : vector<256x10xf32>
    %reduce_max3A_16 = vector.multi_reduction <maximumf>, %select_n3A_14, %reduce_max3A_15 [1] : vector<256x256x10xf32> to vector<256x10xf32>
    %slice3A_17 = vector.extract_strided_slice %get3A_1 {offsets = [0, 64], sizes = [2560, 32], strides = [1, 1]} : vector<2560x512xf32> to vector<2560x32xf32>
    %dot_general3A_18 = arith.constant dense<0.000000e+00> : vector<256x2560xf32>
    %dot_general3A_19 = tpu.matmul %get3A_4, %slice3A_17, %dot_general3A_18 {dimension_numbers = #tpu.dot_dimension_numbers<[1], [1], [0], [0], [0, 0, 1, 0], [], []>, transpose_lhs_hint = false} : vector<256x32xf32>, vector<2560x32xf32>, vector<256x2560xf32> -> vector<256x2560xf32>
    %reshape3A_20 = vector.shape_cast %dot_general3A_19 : vector<256x2560xf32> to vector<256x256x10xf32>
    %jit3A_21 = arith.constant 0xFF800000 : f32
    %broadcast_in_dim3A_22 = vector.broadcast %jit3A_21 : f32 to vector<256x256x10xf32>
    %select_n3A_23 = arith.select %eq3A, %reshape3A_20, %broadcast_in_dim3A_22 : vector<256x256x10xi1>, vector<256x256x10xf32>
    %reduce_max3A_24 = arith.constant dense<0xFF800000> : vector<256x10xf32>
    %reduce_max3A_25 = vector.multi_reduction <maximumf>, %select_n3A_23, %reduce_max3A_24 [1] : vector<256x256x10xf32> to vector<256x10xf32>
    %slice3A_26 = vector.extract_strided_slice %get3A_1 {offsets = [0, 96], sizes = [2560, 32], strides = [1, 1]} : vector<2560x512xf32> to vector<2560x32xf32>
    %dot_general3A_27 = arith.constant dense<0.000000e+00> : vector<256x2560xf32>
    %dot_general3A_28 = tpu.matmul %get3A_4, %slice3A_26, %dot_general3A_27 {dimension_numbers = #tpu.dot_dimension_numbers<[1], [1], [0], [0], [0, 0, 1, 0], [], []>, transpose_lhs_hint = false} : vector<256x32xf32>, vector<2560x32xf32>, vector<256x2560xf32> -> vector<256x2560xf32>
    %reshape3A_29 = vector.shape_cast %dot_general3A_28 : vector<256x2560xf32> to vector<256x256x10xf32>
    %jit3A_30 = arith.constant 0xFF800000 : f32
    %broadcast_in_dim3A_31 = vector.broadcast %jit3A_30 : f32 to vector<256x256x10xf32>
    %select_n3A_32 = arith.select %eq3A, %reshape3A_29, %broadcast_in_dim3A_31 : vector<256x256x10xi1>, vector<256x256x10xf32>
    %reduce_max3A_33 = arith.constant dense<0xFF800000> : vector<256x10xf32>
    %reduce_max3A_34 = vector.multi_reduction <maximumf>, %select_n3A_32, %reduce_max3A_33 [1] : vector<256x256x10xf32> to vector<256x10xf32>
    %slice3A_35 = vector.extract_strided_slice %get3A_1 {offsets = [0, 128], sizes = [2560, 32], strides = [1, 1]} : vector<2560x512xf32> to vector<2560x32xf32>
    %dot_general3A_36 = arith.constant dense<0.000000e+00> : vector<256x2560xf32>
    %dot_general3A_37 = tpu.matmul %get3A_4, %slice3A_35, %dot_general3A_36 {dimension_numbers = #tpu.dot_dimension_numbers<[1], [1], [0], [0], [0, 0, 1, 0], [], []>, transpose_lhs_hint = false} : vector<256x32xf32>, vector<2560x32xf32>, vector<256x2560xf32> -> vector<256x2560xf32>
    %reshape3A_38 = vector.shape_cast %dot_general3A_37 : vector<256x2560xf32> to vector<256x256x10xf32>
    %jit3A_39 = arith.constant 0xFF800000 : f32
    %broadcast_in_dim3A_40 = vector.broadcast %jit3A_39 : f32 to vector<256x256x10xf32>
    %select_n3A_41 = arith.select %eq3A, %reshape3A_38, %broadcast_in_dim3A_40 : vector<256x256x10xi1>, vector<256x256x10xf32>
    %reduce_max3A_42 = arith.constant dense<0xFF800000> : vector<256x10xf32>
    %reduce_max3A_43 = vector.multi_reduction <maximumf>, %select_n3A_41, %reduce_max3A_42 [1] : vector<256x256x10xf32> to vector<256x10xf32>
    %slice3A_44 = vector.extract_strided_slice %get3A_1 {offsets = [0, 160], sizes = [2560, 32], strides = [1, 1]} : vector<2560x512xf32> to vector<2560x32xf32>
    %dot_general3A_45 = arith.constant dense<0.000000e+00> : vector<256x2560xf32>
    %dot_general3A_46 = tpu.matmul %get3A_4, %slice3A_44, %dot_general3A_45 {dimension_numbers = #tpu.dot_dimension_numbers<[1], [1], [0], [0], [0, 0, 1, 0], [], []>, transpose_lhs_hint = false} : vector<256x32xf32>, vector<2560x32xf32>, vector<256x2560xf32> -> vector<256x2560xf32>
    %reshape3A_47 = vector.shape_cast %dot_general3A_46 : vector<256x2560xf32> to vector<256x256x10xf32>
    %jit3A_48 = arith.constant 0xFF800000 : f32
    %broadcast_in_dim3A_49 = vector.broadcast %jit3A_48 : f32 to vector<256x256x10xf32>
    %select_n3A_50 = arith.select %eq3A, %reshape3A_47, %broadcast_in_dim3A_49 : vector<256x256x10xi1>, vector<256x256x10xf32>
    %reduce_max3A_51 = arith.constant dense<0xFF800000> : vector<256x10xf32>
    %reduce_max3A_52 = vector.multi_reduction <maximumf>, %select_n3A_50, %reduce_max3A_51 [1] : vector<256x256x10xf32> to vector<256x10xf32>
    %slice3A_53 = vector.extract_strided_slice %get3A_1 {offsets = [0, 192], sizes = [2560, 32], strides = [1, 1]} : vector<2560x512xf32> to vector<2560x32xf32>
    %dot_general3A_54 = arith.constant dense<0.000000e+00> : vector<256x2560xf32>
    %dot_general3A_55 = tpu.matmul %get3A_4, %slice3A_53, %dot_general3A_54 {dimension_numbers = #tpu.dot_dimension_numbers<[1], [1], [0], [0], [0, 0, 1, 0], [], []>, transpose_lhs_hint = false} : vector<256x32xf32>, vector<2560x32xf32>, vector<256x2560xf32> -> vector<256x2560xf32>
    %reshape3A_56 = vector.shape_cast %dot_general3A_55 : vector<256x2560xf32> to vector<256x256x10xf32>
    %jit3A_57 = arith.constant 0xFF800000 : f32
    %broadcast_in_dim3A_58 = vector.broadcast %jit3A_57 : f32 to vector<256x256x10xf32>
    %select_n3A_59 = arith.select %eq3A, %reshape3A_56, %broadcast_in_dim3A_58 : vector<256x256x10xi1>, vector<256x256x10xf32>
    %reduce_max3A_60 = arith.constant dense<0xFF800000> : vector<256x10xf32>
    %reduce_max3A_61 = vector.multi_reduction <maximumf>, %select_n3A_59, %reduce_max3A_60 [1] : vector<256x256x10xf32> to vector<256x10xf32>
    %slice3A_62 = vector.extract_strided_slice %get3A_1 {offsets = [0, 224], sizes = [2560, 32], strides = [1, 1]} : vector<2560x512xf32> to vector<2560x32xf32>
    %dot_general3A_63 = arith.constant dense<0.000000e+00> : vector<256x2560xf32>
    %dot_general3A_64 = tpu.matmul %get3A_4, %slice3A_62, %dot_general3A_63 {dimension_numbers = #tpu.dot_dimension_numbers<[1], [1], [0], [0], [0, 0, 1, 0], [], []>, transpose_lhs_hint = false} : vector<256x32xf32>, vector<2560x32xf32>, vector<256x2560xf32> -> vector<256x2560xf32>
    %reshape3A_65 = vector.shape_cast %dot_general3A_64 : vector<256x2560xf32> to vector<256x256x10xf32>
    %jit3A_66 = arith.constant 0xFF800000 : f32
    %broadcast_in_dim3A_67 = vector.broadcast %jit3A_66 : f32 to vector<256x256x10xf32>
    %select_n3A_68 = arith.select %eq3A, %reshape3A_65, %broadcast_in_dim3A_67 : vector<256x256x10xi1>, vector<256x256x10xf32>
    %reduce_max3A_69 = arith.constant dense<0xFF800000> : vector<256x10xf32>
    %reduce_max3A_70 = vector.multi_reduction <maximumf>, %select_n3A_68, %reduce_max3A_69 [1] : vector<256x256x10xf32> to vector<256x10xf32>
    %slice3A_71 = vector.extract_strided_slice %get3A_1 {offsets = [0, 256], sizes = [2560, 32], strides = [1, 1]} : vector<2560x512xf32> to vector<2560x32xf32>
    %dot_general3A_72 = arith.constant dense<0.000000e+00> : vector<256x2560xf32>
    %dot_general3A_73 = tpu.matmul %get3A_4, %slice3A_71, %dot_general3A_72 {dimension_numbers = #tpu.dot_dimension_numbers<[1], [1], [0], [0], [0, 0, 1, 0], [], []>, transpose_lhs_hint = false} : vector<256x32xf32>, vector<2560x32xf32>, vector<256x2560xf32> -> vector<256x2560xf32>
    %reshape3A_74 = vector.shape_cast %dot_general3A_73 : vector<256x2560xf32> to vector<256x256x10xf32>
    %jit3A_75 = arith.constant 0xFF800000 : f32
    %broadcast_in_dim3A_76 = vector.broadcast %jit3A_75 : f32 to vector<256x256x10xf32>
    %select_n3A_77 = arith.select %eq3A, %reshape3A_74, %broadcast_in_dim3A_76 : vector<256x256x10xi1>, vector<256x256x10xf32>
    %reduce_max3A_78 = arith.constant dense<0xFF800000> : vector<256x10xf32>
    %reduce_max3A_79 = vector.multi_reduction <maximumf>, %select_n3A_77, %reduce_max3A_78 [1] : vector<256x256x10xf32> to vector<256x10xf32>
    %slice3A_80 = vector.extract_strided_slice %get3A_1 {offsets = [0, 288], sizes = [2560, 32], strides = [1, 1]} : vector<2560x512xf32> to vector<2560x32xf32>
    %dot_general3A_81 = arith.constant dense<0.000000e+00> : vector<256x2560xf32>
    %dot_general3A_82 = tpu.matmul %get3A_4, %slice3A_80, %dot_general3A_81 {dimension_numbers = #tpu.dot_dimension_numbers<[1], [1], [0], [0], [0, 0, 1, 0], [], []>, transpose_lhs_hint = false} : vector<256x32xf32>, vector<2560x32xf32>, vector<256x2560xf32> -> vector<256x2560xf32>
    %reshape3A_83 = vector.shape_cast %dot_general3A_82 : vector<256x2560xf32> to vector<256x256x10xf32>
    %jit3A_84 = arith.constant 0xFF800000 : f32
    %broadcast_in_dim3A_85 = vector.broadcast %jit3A_84 : f32 to vector<256x256x10xf32>
    %select_n3A_86 = arith.select %eq3A, %reshape3A_83, %broadcast_in_dim3A_85 : vector<256x256x10xi1>, vector<256x256x10xf32>
    %reduce_max3A_87 = arith.constant dense<0xFF800000> : vector<256x10xf32>
    %reduce_max3A_88 = vector.multi_reduction <maximumf>, %select_n3A_86, %reduce_max3A_87 [1] : vector<256x256x10xf32> to vector<256x10xf32>
    %slice3A_89 = vector.extract_strided_slice %get3A_1 {offsets = [0, 320], sizes = [2560, 32], strides = [1, 1]} : vector<2560x512xf32> to vector<2560x32xf32>
    %dot_general3A_90 = arith.constant dense<0.000000e+00> : vector<256x2560xf32>
    %dot_general3A_91 = tpu.matmul %get3A_4, %slice3A_89, %dot_general3A_90 {dimension_numbers = #tpu.dot_dimension_numbers<[1], [1], [0], [0], [0, 0, 1, 0], [], []>, transpose_lhs_hint = false} : vector<256x32xf32>, vector<2560x32xf32>, vector<256x2560xf32> -> vector<256x2560xf32>
    %reshape3A_92 = vector.shape_cast %dot_general3A_91 : vector<256x2560xf32> to vector<256x256x10xf32>
    %jit3A_93 = arith.constant 0xFF800000 : f32
    %broadcast_in_dim3A_94 = vector.broadcast %jit3A_93 : f32 to vector<256x256x10xf32>
    %select_n3A_95 = arith.select %eq3A, %reshape3A_92, %broadcast_in_dim3A_94 : vector<256x256x10xi1>, vector<256x256x10xf32>
    %reduce_max3A_96 = arith.constant dense<0xFF800000> : vector<256x10xf32>
    %reduce_max3A_97 = vector.multi_reduction <maximumf>, %select_n3A_95, %reduce_max3A_96 [1] : vector<256x256x10xf32> to vector<256x10xf32>
    %slice3A_98 = vector.extract_strided_slice %get3A_1 {offsets = [0, 352], sizes = [2560, 32], strides = [1, 1]} : vector<2560x512xf32> to vector<2560x32xf32>
    %dot_general3A_99 = arith.constant dense<0.000000e+00> : vector<256x2560xf32>
    %dot_general3A_100 = tpu.matmul %get3A_4, %slice3A_98, %dot_general3A_99 {dimension_numbers = #tpu.dot_dimension_numbers<[1], [1], [0], [0], [0, 0, 1, 0], [], []>, transpose_lhs_hint = false} : vector<256x32xf32>, vector<2560x32xf32>, vector<256x2560xf32> -> vector<256x2560xf32>
    %reshape3A_101 = vector.shape_cast %dot_general3A_100 : vector<256x2560xf32> to vector<256x256x10xf32>
    %jit3A_102 = arith.constant 0xFF800000 : f32
    %broadcast_in_dim3A_103 = vector.broadcast %jit3A_102 : f32 to vector<256x256x10xf32>
    %select_n3A_104 = arith.select %eq3A, %reshape3A_101, %broadcast_in_dim3A_103 : vector<256x256x10xi1>, vector<256x256x10xf32>
    %reduce_max3A_105 = arith.constant dense<0xFF800000> : vector<256x10xf32>
    %reduce_max3A_106 = vector.multi_reduction <maximumf>, %select_n3A_104, %reduce_max3A_105 [1] : vector<256x256x10xf32> to vector<256x10xf32>
    %slice3A_107 = vector.extract_strided_slice %get3A_1 {offsets = [0, 384], sizes = [2560, 32], strides = [1, 1]} : vector<2560x512xf32> to vector<2560x32xf32>
    %dot_general3A_108 = arith.constant dense<0.000000e+00> : vector<256x2560xf32>
    %dot_general3A_109 = tpu.matmul %get3A_4, %slice3A_107, %dot_general3A_108 {dimension_numbers = #tpu.dot_dimension_numbers<[1], [1], [0], [0], [0, 0, 1, 0], [], []>, transpose_lhs_hint = false} : vector<256x32xf32>, vector<2560x32xf32>, vector<256x2560xf32> -> vector<256x2560xf32>
    %reshape3A_110 = vector.shape_cast %dot_general3A_109 : vector<256x2560xf32> to vector<256x256x10xf32>
    %jit3A_111 = arith.constant 0xFF800000 : f32
    %broadcast_in_dim3A_112 = vector.broadcast %jit3A_111 : f32 to vector<256x256x10xf32>
    %select_n3A_113 = arith.select %eq3A, %reshape3A_110, %broadcast_in_dim3A_112 : vector<256x256x10xi1>, vector<256x256x10xf32>
    %reduce_max3A_114 = arith.constant dense<0xFF800000> : vector<256x10xf32>
    %reduce_max3A_115 = vector.multi_reduction <maximumf>, %select_n3A_113, %reduce_max3A_114 [1] : vector<256x256x10xf32> to vector<256x10xf32>
    %slice3A_116 = vector.extract_strided_slice %get3A_1 {offsets = [0, 416], sizes = [2560, 32], strides = [1, 1]} : vector<2560x512xf32> to vector<2560x32xf32>
    %dot_general3A_117 = arith.constant dense<0.000000e+00> : vector<256x2560xf32>
    %dot_general3A_118 = tpu.matmul %get3A_4, %slice3A_116, %dot_general3A_117 {dimension_numbers = #tpu.dot_dimension_numbers<[1], [1], [0], [0], [0, 0, 1, 0], [], []>, transpose_lhs_hint = false} : vector<256x32xf32>, vector<2560x32xf32>, vector<256x2560xf32> -> vector<256x2560xf32>
    %reshape3A_119 = vector.shape_cast %dot_general3A_118 : vector<256x2560xf32> to vector<256x256x10xf32>
    %jit3A_120 = arith.constant 0xFF800000 : f32
    %broadcast_in_dim3A_121 = vector.broadcast %jit3A_120 : f32 to vector<256x256x10xf32>
    %select_n3A_122 = arith.select %eq3A, %reshape3A_119, %broadcast_in_dim3A_121 : vector<256x256x10xi1>, vector<256x256x10xf32>
    %reduce_max3A_123 = arith.constant dense<0xFF800000> : vector<256x10xf32>
    %reduce_max3A_124 = vector.multi_reduction <maximumf>, %select_n3A_122, %reduce_max3A_123 [1] : vector<256x256x10xf32> to vector<256x10xf32>
    %slice3A_125 = vector.extract_strided_slice %get3A_1 {offsets = [0, 448], sizes = [2560, 32], strides = [1, 1]} : vector<2560x512xf32> to vector<2560x32xf32>
    %dot_general3A_126 = arith.constant dense<0.000000e+00> : vector<256x2560xf32>
    %dot_general3A_127 = tpu.matmul %get3A_4, %slice3A_125, %dot_general3A_126 {dimension_numbers = #tpu.dot_dimension_numbers<[1], [1], [0], [0], [0, 0, 1, 0], [], []>, transpose_lhs_hint = false} : vector<256x32xf32>, vector<2560x32xf32>, vector<256x2560xf32> -> vector<256x2560xf32>
    %reshape3A_128 = vector.shape_cast %dot_general3A_127 : vector<256x2560xf32> to vector<256x256x10xf32>
    %jit3A_129 = arith.constant 0xFF800000 : f32
    %broadcast_in_dim3A_130 = vector.broadcast %jit3A_129 : f32 to vector<256x256x10xf32>
    %select_n3A_131 = arith.select %eq3A, %reshape3A_128, %broadcast_in_dim3A_130 : vector<256x256x10xi1>, vector<256x256x10xf32>
    %reduce_max3A_132 = arith.constant dense<0xFF800000> : vector<256x10xf32>
    %reduce_max3A_133 = vector.multi_reduction <maximumf>, %select_n3A_131, %reduce_max3A_132 [1] : vector<256x256x10xf32> to vector<256x10xf32>
    %slice3A_134 = vector.extract_strided_slice %get3A_1 {offsets = [0, 480], sizes = [2560, 32], strides = [1, 1]} : vector<2560x512xf32> to vector<2560x32xf32>
    %dot_general3A_135 = arith.constant dense<0.000000e+00> : vector<256x2560xf32>
    %dot_general3A_136 = tpu.matmul %get3A_4, %slice3A_134, %dot_general3A_135 {dimension_numbers = #tpu.dot_dimension_numbers<[1], [1], [0], [0], [0, 0, 1, 0], [], []>, transpose_lhs_hint = false} : vector<256x32xf32>, vector<2560x32xf32>, vector<256x2560xf32> -> vector<256x2560xf32>
    %reshape3A_137 = vector.shape_cast %dot_general3A_136 : vector<256x2560xf32> to vector<256x256x10xf32>
    %jit3A_138 = arith.constant 0xFF800000 : f32
    %broadcast_in_dim3A_139 = vector.broadcast %jit3A_138 : f32 to vector<256x256x10xf32>
    %select_n3A_140 = arith.select %eq3A, %reshape3A_137, %broadcast_in_dim3A_139 : vector<256x256x10xi1>, vector<256x256x10xf32>
    %reduce_max3A_141 = arith.constant dense<0xFF800000> : vector<256x10xf32>
    %reduce_max3A_142 = vector.multi_reduction <maximumf>, %select_n3A_140, %reduce_max3A_141 [1] : vector<256x256x10xf32> to vector<256x10xf32>
    %concatenate3A = tpu.concatenate %reduce_max3A_7, %reduce_max3A_16, %reduce_max3A_25, %reduce_max3A_34, %reduce_max3A_43, %reduce_max3A_52, %reduce_max3A_61, %reduce_max3A_70, %reduce_max3A_79, %reduce_max3A_88, %reduce_max3A_97, %reduce_max3A_106, %reduce_max3A_115, %reduce_max3A_124, %reduce_max3A_133, %reduce_max3A_142 in 1 : vector<256x10xf32>, vector<256x10xf32>, vector<256x10xf32>, vector<256x10xf32>, vector<256x10xf32>, vector<256x10xf32>, vector<256x10xf32>, vector<256x10xf32>, vector<256x10xf32>, vector<256x10xf32>, vector<256x10xf32>, vector<256x10xf32>, vector<256x10xf32>, vector<256x10xf32>, vector<256x10xf32>, vector<256x10xf32> -> vector<256x160xf32>
    %get3A_143 = arith.constant 0 : index
    %get3A_144 = arith.constant 0 : index
    %get3A_145 = vector.load %arg3[%get3A_143, %get3A_144] : memref<256x160xi32, #tpu.memory_space<vmem>>, vector<256x160xi32>
    %lt3A = arith.constant 100000 : i32
    %lt3A_146 = vector.broadcast %lt3A : i32 to vector<256x160xi32>
    %lt3A_147 = arith.cmpi slt, %get3A_145, %lt3A_146 : vector<256x160xi32>
    %jit3A_148 = arith.constant 0xFF800000 : f32
    %broadcast_in_dim3A_149 = vector.broadcast %jit3A_148 : f32 to vector<256x160xf32>
    %select_n3A_150 = arith.select %lt3A_147, %concatenate3A, %broadcast_in_dim3A_149 : vector<256x160xi1>, vector<256x160xf32>
    %iota3A_151 = tpu.iota {dimensions = array<i32: 1>} : vector<256x160xi32>
    %reduce_max3A_152 = arith.constant dense<0xFF800000> : vector<256xf32>
    %reduce_max3A_153 = vector.multi_reduction <maximumf>, %select_n3A_150, %reduce_max3A_152 [1] : vector<256x160xf32> to vector<256xf32>
    %broadcast_in_dim3A_154 = vector.shape_cast %reduce_max3A_153 : vector<256xf32> to vector<256x1xf32>
    %eq3A_155 = vector.broadcast %broadcast_in_dim3A_154 : vector<256x1xf32> to vector<256x160xf32>
    %eq3A_156 = arith.cmpf oeq, %select_n3A_150, %eq3A_155 : vector<256x160xf32>
    %jit3A_157 = arith.constant 1073741824 : i32
    %broadcast_in_dim3A_158 = vector.broadcast %jit3A_157 : i32 to vector<256x160xi32>
    %select_n3A_159 = arith.select %eq3A_156, %iota3A_151, %broadcast_in_dim3A_158 : vector<256x160xi1>, vector<256x160xi32>
    %reduce_min3A = arith.constant dense<2147483647> : vector<256xi32>
    %reduce_min3A_160 = vector.multi_reduction <minsi>, %select_n3A_159, %reduce_min3A [1] : vector<256x160xi32> to vector<256xi32>
    %broadcast_in_dim3A_161 = vector.shape_cast %reduce_min3A_160 : vector<256xi32> to vector<256x1xi32>
    %eq3A_162 = vector.broadcast %broadcast_in_dim3A_161 : vector<256x1xi32> to vector<256x160xi32>
    %eq3A_163 = arith.cmpi eq, %iota3A_151, %eq3A_162 : vector<256x160xi32>
    %jit3A_164 = arith.constant 0 : i32
    %broadcast_in_dim3A_165 = vector.broadcast %jit3A_164 : i32 to vector<256x160xi32>
    %select_n3A_166 = arith.select %eq3A_163, %get3A_145, %broadcast_in_dim3A_165 : vector<256x160xi1>, vector<256x160xi32>
    %reduce_sum3A = arith.constant dense<0> : vector<256xi32>
    %reduce_sum3A_167 = vector.multi_reduction <add>, %select_n3A_166, %reduce_sum3A [1] : vector<256x160xi32> to vector<256xi32>
    %broadcast_in_dim3A_168 = vector.shape_cast %reduce_sum3A_167 : vector<256xi32> to vector<256x1xi32>
    %eq3A_169 = vector.broadcast %broadcast_in_dim3A_161 : vector<256x1xi32> to vector<256x160xi32>
    %eq3A_170 = arith.cmpi eq, %iota3A_151, %eq3A_169 : vector<256x160xi32>
    %jit3A_171 = arith.constant 0xFF800000 : f32
    %broadcast_in_dim3A_172 = vector.broadcast %jit3A_171 : f32 to vector<256x160xf32>
    %select_n3A_173 = arith.select %eq3A_170, %broadcast_in_dim3A_172, %select_n3A_150 : vector<256x160xi1>, vector<256x160xf32>
    %reduce_max3A_174 = arith.constant dense<0xFF800000> : vector<256xf32>
    %reduce_max3A_175 = vector.multi_reduction <maximumf>, %select_n3A_173, %reduce_max3A_174 [1] : vector<256x160xf32> to vector<256xf32>
    %broadcast_in_dim3A_176 = vector.shape_cast %reduce_max3A_175 : vector<256xf32> to vector<256x1xf32>
    %eq3A_177 = vector.broadcast %broadcast_in_dim3A_176 : vector<256x1xf32> to vector<256x160xf32>
    %eq3A_178 = arith.cmpf oeq, %select_n3A_173, %eq3A_177 : vector<256x160xf32>
    %jit3A_179 = arith.constant 1073741824 : i32
    %broadcast_in_dim3A_180 = vector.broadcast %jit3A_179 : i32 to vector<256x160xi32>
    %select_n3A_181 = arith.select %eq3A_178, %iota3A_151, %broadcast_in_dim3A_180 : vector<256x160xi1>, vector<256x160xi32>
    %reduce_min3A_182 = arith.constant dense<2147483647> : vector<256xi32>
    %reduce_min3A_183 = vector.multi_reduction <minsi>, %select_n3A_181, %reduce_min3A_182 [1] : vector<256x160xi32> to vector<256xi32>
    %broadcast_in_dim3A_184 = vector.shape_cast %reduce_min3A_183 : vector<256xi32> to vector<256x1xi32>
    %eq3A_185 = vector.broadcast %broadcast_in_dim3A_184 : vector<256x1xi32> to vector<256x160xi32>
    %eq3A_186 = arith.cmpi eq, %iota3A_151, %eq3A_185 : vector<256x160xi32>
    %jit3A_187 = arith.constant 0 : i32
    %broadcast_in_dim3A_188 = vector.broadcast %jit3A_187 : i32 to vector<256x160xi32>
    %select_n3A_189 = arith.select %eq3A_186, %get3A_145, %broadcast_in_dim3A_188 : vector<256x160xi1>, vector<256x160xi32>
    %reduce_sum3A_190 = arith.constant dense<0> : vector<256xi32>
    %reduce_sum3A_191 = vector.multi_reduction <add>, %select_n3A_189, %reduce_sum3A_190 [1] : vector<256x160xi32> to vector<256xi32>
    %broadcast_in_dim3A_192 = vector.shape_cast %reduce_sum3A_191 : vector<256xi32> to vector<256x1xi32>
    %eq3A_193 = vector.broadcast %broadcast_in_dim3A_184 : vector<256x1xi32> to vector<256x160xi32>
    %eq3A_194 = arith.cmpi eq, %iota3A_151, %eq3A_193 : vector<256x160xi32>
    %jit3A_195 = arith.constant 0xFF800000 : f32
    %broadcast_in_dim3A_196 = vector.broadcast %jit3A_195 : f32 to vector<256x160xf32>
    %select_n3A_197 = arith.select %eq3A_194, %broadcast_in_dim3A_196, %select_n3A_173 : vector<256x160xi1>, vector<256x160xf32>
    %reduce_max3A_198 = arith.constant dense<0xFF800000> : vector<256xf32>
    %reduce_max3A_199 = vector.multi_reduction <maximumf>, %select_n3A_197, %reduce_max3A_198 [1] : vector<256x160xf32> to vector<256xf32>
    %broadcast_in_dim3A_200 = vector.shape_cast %reduce_max3A_199 : vector<256xf32> to vector<256x1xf32>
    %eq3A_201 = vector.broadcast %broadcast_in_dim3A_200 : vector<256x1xf32> to vector<256x160xf32>
    %eq3A_202 = arith.cmpf oeq, %select_n3A_197, %eq3A_201 : vector<256x160xf32>
    %jit3A_203 = arith.constant 1073741824 : i32
    %broadcast_in_dim3A_204 = vector.broadcast %jit3A_203 : i32 to vector<256x160xi32>
    %select_n3A_205 = arith.select %eq3A_202, %iota3A_151, %broadcast_in_dim3A_204 : vector<256x160xi1>, vector<256x160xi32>
    %reduce_min3A_206 = arith.constant dense<2147483647> : vector<256xi32>
    %reduce_min3A_207 = vector.multi_reduction <minsi>, %select_n3A_205, %reduce_min3A_206 [1] : vector<256x160xi32> to vector<256xi32>
    %broadcast_in_dim3A_208 = vector.shape_cast %reduce_min3A_207 : vector<256xi32> to vector<256x1xi32>
    %eq3A_209 = vector.broadcast %broadcast_in_dim3A_208 : vector<256x1xi32> to vector<256x160xi32>
    %eq3A_210 = arith.cmpi eq, %iota3A_151, %eq3A_209 : vector<256x160xi32>
    %jit3A_211 = arith.constant 0 : i32
    %broadcast_in_dim3A_212 = vector.broadcast %jit3A_211 : i32 to vector<256x160xi32>
    %select_n3A_213 = arith.select %eq3A_210, %get3A_145, %broadcast_in_dim3A_212 : vector<256x160xi1>, vector<256x160xi32>
    %reduce_sum3A_214 = arith.constant dense<0> : vector<256xi32>
    %reduce_sum3A_215 = vector.multi_reduction <add>, %select_n3A_213, %reduce_sum3A_214 [1] : vector<256x160xi32> to vector<256xi32>
    %broadcast_in_dim3A_216 = vector.shape_cast %reduce_sum3A_215 : vector<256xi32> to vector<256x1xi32>
    %eq3A_217 = vector.broadcast %broadcast_in_dim3A_208 : vector<256x1xi32> to vector<256x160xi32>
    %eq3A_218 = arith.cmpi eq, %iota3A_151, %eq3A_217 : vector<256x160xi32>
    %jit3A_219 = arith.constant 0xFF800000 : f32
    %broadcast_in_dim3A_220 = vector.broadcast %jit3A_219 : f32 to vector<256x160xf32>
    %select_n3A_221 = arith.select %eq3A_218, %broadcast_in_dim3A_220, %select_n3A_197 : vector<256x160xi1>, vector<256x160xf32>
    %reduce_max3A_222 = arith.constant dense<0xFF800000> : vector<256xf32>
    %reduce_max3A_223 = vector.multi_reduction <maximumf>, %select_n3A_221, %reduce_max3A_222 [1] : vector<256x160xf32> to vector<256xf32>
    %broadcast_in_dim3A_224 = vector.shape_cast %reduce_max3A_223 : vector<256xf32> to vector<256x1xf32>
    %eq3A_225 = vector.broadcast %broadcast_in_dim3A_224 : vector<256x1xf32> to vector<256x160xf32>
    %eq3A_226 = arith.cmpf oeq, %select_n3A_221, %eq3A_225 : vector<256x160xf32>
    %jit3A_227 = arith.constant 1073741824 : i32
    %broadcast_in_dim3A_228 = vector.broadcast %jit3A_227 : i32 to vector<256x160xi32>
    %select_n3A_229 = arith.select %eq3A_226, %iota3A_151, %broadcast_in_dim3A_228 : vector<256x160xi1>, vector<256x160xi32>
    %reduce_min3A_230 = arith.constant dense<2147483647> : vector<256xi32>
    %reduce_min3A_231 = vector.multi_reduction <minsi>, %select_n3A_229, %reduce_min3A_230 [1] : vector<256x160xi32> to vector<256xi32>
    %broadcast_in_dim3A_232 = vector.shape_cast %reduce_min3A_231 : vector<256xi32> to vector<256x1xi32>
    %eq3A_233 = vector.broadcast %broadcast_in_dim3A_232 : vector<256x1xi32> to vector<256x160xi32>
    %eq3A_234 = arith.cmpi eq, %iota3A_151, %eq3A_233 : vector<256x160xi32>
    %jit3A_235 = arith.constant 0 : i32
    %broadcast_in_dim3A_236 = vector.broadcast %jit3A_235 : i32 to vector<256x160xi32>
    %select_n3A_237 = arith.select %eq3A_234, %get3A_145, %broadcast_in_dim3A_236 : vector<256x160xi1>, vector<256x160xi32>
    %reduce_sum3A_238 = arith.constant dense<0> : vector<256xi32>
    %reduce_sum3A_239 = vector.multi_reduction <add>, %select_n3A_237, %reduce_sum3A_238 [1] : vector<256x160xi32> to vector<256xi32>
    %broadcast_in_dim3A_240 = vector.shape_cast %reduce_sum3A_239 : vector<256xi32> to vector<256x1xi32>
    %eq3A_241 = vector.broadcast %broadcast_in_dim3A_232 : vector<256x1xi32> to vector<256x160xi32>
    %eq3A_242 = arith.cmpi eq, %iota3A_151, %eq3A_241 : vector<256x160xi32>
    %jit3A_243 = arith.constant 0xFF800000 : f32
    %broadcast_in_dim3A_244 = vector.broadcast %jit3A_243 : f32 to vector<256x160xf32>
    %select_n3A_245 = arith.select %eq3A_242, %broadcast_in_dim3A_244, %select_n3A_221 : vector<256x160xi1>, vector<256x160xf32>
    %reduce_max3A_246 = arith.constant dense<0xFF800000> : vector<256xf32>
    %reduce_max3A_247 = vector.multi_reduction <maximumf>, %select_n3A_245, %reduce_max3A_246 [1] : vector<256x160xf32> to vector<256xf32>
    %broadcast_in_dim3A_248 = vector.shape_cast %reduce_max3A_247 : vector<256xf32> to vector<256x1xf32>
    %eq3A_249 = vector.broadcast %broadcast_in_dim3A_248 : vector<256x1xf32> to vector<256x160xf32>
    %eq3A_250 = arith.cmpf oeq, %select_n3A_245, %eq3A_249 : vector<256x160xf32>
    %jit3A_251 = arith.constant 1073741824 : i32
    %broadcast_in_dim3A_252 = vector.broadcast %jit3A_251 : i32 to vector<256x160xi32>
    %select_n3A_253 = arith.select %eq3A_250, %iota3A_151, %broadcast_in_dim3A_252 : vector<256x160xi1>, vector<256x160xi32>
    %reduce_min3A_254 = arith.constant dense<2147483647> : vector<256xi32>
    %reduce_min3A_255 = vector.multi_reduction <minsi>, %select_n3A_253, %reduce_min3A_254 [1] : vector<256x160xi32> to vector<256xi32>
    %broadcast_in_dim3A_256 = vector.shape_cast %reduce_min3A_255 : vector<256xi32> to vector<256x1xi32>
    %eq3A_257 = vector.broadcast %broadcast_in_dim3A_256 : vector<256x1xi32> to vector<256x160xi32>
    %eq3A_258 = arith.cmpi eq, %iota3A_151, %eq3A_257 : vector<256x160xi32>
    %jit3A_259 = arith.constant 0 : i32
    %broadcast_in_dim3A_260 = vector.broadcast %jit3A_259 : i32 to vector<256x160xi32>
    %select_n3A_261 = arith.select %eq3A_258, %get3A_145, %broadcast_in_dim3A_260 : vector<256x160xi1>, vector<256x160xi32>
    %reduce_sum3A_262 = arith.constant dense<0> : vector<256xi32>
    %reduce_sum3A_263 = vector.multi_reduction <add>, %select_n3A_261, %reduce_sum3A_262 [1] : vector<256x160xi32> to vector<256xi32>
    %broadcast_in_dim3A_264 = vector.shape_cast %reduce_sum3A_263 : vector<256xi32> to vector<256x1xi32>
    %eq3A_265 = vector.broadcast %broadcast_in_dim3A_256 : vector<256x1xi32> to vector<256x160xi32>
    %eq3A_266 = arith.cmpi eq, %iota3A_151, %eq3A_265 : vector<256x160xi32>
    %jit3A_267 = arith.constant 0xFF800000 : f32
    %broadcast_in_dim3A_268 = vector.broadcast %jit3A_267 : f32 to vector<256x160xf32>
    %select_n3A_269 = arith.select %eq3A_266, %broadcast_in_dim3A_268, %select_n3A_245 : vector<256x160xi1>, vector<256x160xf32>
    %reduce_max3A_270 = arith.constant dense<0xFF800000> : vector<256xf32>
    %reduce_max3A_271 = vector.multi_reduction <maximumf>, %select_n3A_269, %reduce_max3A_270 [1] : vector<256x160xf32> to vector<256xf32>
    %broadcast_in_dim3A_272 = vector.shape_cast %reduce_max3A_271 : vector<256xf32> to vector<256x1xf32>
    %eq3A_273 = vector.broadcast %broadcast_in_dim3A_272 : vector<256x1xf32> to vector<256x160xf32>
    %eq3A_274 = arith.cmpf oeq, %select_n3A_269, %eq3A_273 : vector<256x160xf32>
    %jit3A_275 = arith.constant 1073741824 : i32
    %broadcast_in_dim3A_276 = vector.broadcast %jit3A_275 : i32 to vector<256x160xi32>
    %select_n3A_277 = arith.select %eq3A_274, %iota3A_151, %broadcast_in_dim3A_276 : vector<256x160xi1>, vector<256x160xi32>
    %reduce_min3A_278 = arith.constant dense<2147483647> : vector<256xi32>
    %reduce_min3A_279 = vector.multi_reduction <minsi>, %select_n3A_277, %reduce_min3A_278 [1] : vector<256x160xi32> to vector<256xi32>
    %broadcast_in_dim3A_280 = vector.shape_cast %reduce_min3A_279 : vector<256xi32> to vector<256x1xi32>
    %eq3A_281 = vector.broadcast %broadcast_in_dim3A_280 : vector<256x1xi32> to vector<256x160xi32>
    %eq3A_282 = arith.cmpi eq, %iota3A_151, %eq3A_281 : vector<256x160xi32>
    %jit3A_283 = arith.constant 0 : i32
    %broadcast_in_dim3A_284 = vector.broadcast %jit3A_283 : i32 to vector<256x160xi32>
    %select_n3A_285 = arith.select %eq3A_282, %get3A_145, %broadcast_in_dim3A_284 : vector<256x160xi1>, vector<256x160xi32>
    %reduce_sum3A_286 = arith.constant dense<0> : vector<256xi32>
    %reduce_sum3A_287 = vector.multi_reduction <add>, %select_n3A_285, %reduce_sum3A_286 [1] : vector<256x160xi32> to vector<256xi32>
    %broadcast_in_dim3A_288 = vector.shape_cast %reduce_sum3A_287 : vector<256xi32> to vector<256x1xi32>
    %eq3A_289 = vector.broadcast %broadcast_in_dim3A_280 : vector<256x1xi32> to vector<256x160xi32>
    %eq3A_290 = arith.cmpi eq, %iota3A_151, %eq3A_289 : vector<256x160xi32>
    %jit3A_291 = arith.constant 0xFF800000 : f32
    %broadcast_in_dim3A_292 = vector.broadcast %jit3A_291 : f32 to vector<256x160xf32>
    %select_n3A_293 = arith.select %eq3A_290, %broadcast_in_dim3A_292, %select_n3A_269 : vector<256x160xi1>, vector<256x160xf32>
    %reduce_max3A_294 = arith.constant dense<0xFF800000> : vector<256xf32>
    %reduce_max3A_295 = vector.multi_reduction <maximumf>, %select_n3A_293, %reduce_max3A_294 [1] : vector<256x160xf32> to vector<256xf32>
    %broadcast_in_dim3A_296 = vector.shape_cast %reduce_max3A_295 : vector<256xf32> to vector<256x1xf32>
    %eq3A_297 = vector.broadcast %broadcast_in_dim3A_296 : vector<256x1xf32> to vector<256x160xf32>
    %eq3A_298 = arith.cmpf oeq, %select_n3A_293, %eq3A_297 : vector<256x160xf32>
    %jit3A_299 = arith.constant 1073741824 : i32
    %broadcast_in_dim3A_300 = vector.broadcast %jit3A_299 : i32 to vector<256x160xi32>
    %select_n3A_301 = arith.select %eq3A_298, %iota3A_151, %broadcast_in_dim3A_300 : vector<256x160xi1>, vector<256x160xi32>
    %reduce_min3A_302 = arith.constant dense<2147483647> : vector<256xi32>
    %reduce_min3A_303 = vector.multi_reduction <minsi>, %select_n3A_301, %reduce_min3A_302 [1] : vector<256x160xi32> to vector<256xi32>
    %broadcast_in_dim3A_304 = vector.shape_cast %reduce_min3A_303 : vector<256xi32> to vector<256x1xi32>
    %eq3A_305 = vector.broadcast %broadcast_in_dim3A_304 : vector<256x1xi32> to vector<256x160xi32>
    %eq3A_306 = arith.cmpi eq, %iota3A_151, %eq3A_305 : vector<256x160xi32>
    %jit3A_307 = arith.constant 0 : i32
    %broadcast_in_dim3A_308 = vector.broadcast %jit3A_307 : i32 to vector<256x160xi32>
    %select_n3A_309 = arith.select %eq3A_306, %get3A_145, %broadcast_in_dim3A_308 : vector<256x160xi1>, vector<256x160xi32>
    %reduce_sum3A_310 = arith.constant dense<0> : vector<256xi32>
    %reduce_sum3A_311 = vector.multi_reduction <add>, %select_n3A_309, %reduce_sum3A_310 [1] : vector<256x160xi32> to vector<256xi32>
    %broadcast_in_dim3A_312 = vector.shape_cast %reduce_sum3A_311 : vector<256xi32> to vector<256x1xi32>
    %eq3A_313 = vector.broadcast %broadcast_in_dim3A_304 : vector<256x1xi32> to vector<256x160xi32>
    %eq3A_314 = arith.cmpi eq, %iota3A_151, %eq3A_313 : vector<256x160xi32>
    %jit3A_315 = arith.constant 0xFF800000 : f32
    %broadcast_in_dim3A_316 = vector.broadcast %jit3A_315 : f32 to vector<256x160xf32>
    %select_n3A_317 = arith.select %eq3A_314, %broadcast_in_dim3A_316, %select_n3A_293 : vector<256x160xi1>, vector<256x160xf32>
    %reduce_max3A_318 = arith.constant dense<0xFF800000> : vector<256xf32>
    %reduce_max3A_319 = vector.multi_reduction <maximumf>, %select_n3A_317, %reduce_max3A_318 [1] : vector<256x160xf32> to vector<256xf32>
    %broadcast_in_dim3A_320 = vector.shape_cast %reduce_max3A_319 : vector<256xf32> to vector<256x1xf32>
    %eq3A_321 = vector.broadcast %broadcast_in_dim3A_320 : vector<256x1xf32> to vector<256x160xf32>
    %eq3A_322 = arith.cmpf oeq, %select_n3A_317, %eq3A_321 : vector<256x160xf32>
    %jit3A_323 = arith.constant 1073741824 : i32
    %broadcast_in_dim3A_324 = vector.broadcast %jit3A_323 : i32 to vector<256x160xi32>
    %select_n3A_325 = arith.select %eq3A_322, %iota3A_151, %broadcast_in_dim3A_324 : vector<256x160xi1>, vector<256x160xi32>
    %reduce_min3A_326 = arith.constant dense<2147483647> : vector<256xi32>
    %reduce_min3A_327 = vector.multi_reduction <minsi>, %select_n3A_325, %reduce_min3A_326 [1] : vector<256x160xi32> to vector<256xi32>
    %broadcast_in_dim3A_328 = vector.shape_cast %reduce_min3A_327 : vector<256xi32> to vector<256x1xi32>
    %eq3A_329 = vector.broadcast %broadcast_in_dim3A_328 : vector<256x1xi32> to vector<256x160xi32>
    %eq3A_330 = arith.cmpi eq, %iota3A_151, %eq3A_329 : vector<256x160xi32>
    %jit3A_331 = arith.constant 0 : i32
    %broadcast_in_dim3A_332 = vector.broadcast %jit3A_331 : i32 to vector<256x160xi32>
    %select_n3A_333 = arith.select %eq3A_330, %get3A_145, %broadcast_in_dim3A_332 : vector<256x160xi1>, vector<256x160xi32>
    %reduce_sum3A_334 = arith.constant dense<0> : vector<256xi32>
    %reduce_sum3A_335 = vector.multi_reduction <add>, %select_n3A_333, %reduce_sum3A_334 [1] : vector<256x160xi32> to vector<256xi32>
    %broadcast_in_dim3A_336 = vector.shape_cast %reduce_sum3A_335 : vector<256xi32> to vector<256x1xi32>
    %eq3A_337 = vector.broadcast %broadcast_in_dim3A_328 : vector<256x1xi32> to vector<256x160xi32>
    %eq3A_338 = arith.cmpi eq, %iota3A_151, %eq3A_337 : vector<256x160xi32>
    %jit3A_339 = arith.constant 0xFF800000 : f32
    %broadcast_in_dim3A_340 = vector.broadcast %jit3A_339 : f32 to vector<256x160xf32>
    %select_n3A_341 = arith.select %eq3A_338, %broadcast_in_dim3A_340, %select_n3A_317 : vector<256x160xi1>, vector<256x160xf32>
    %reduce_max3A_342 = arith.constant dense<0xFF800000> : vector<256xf32>
    %reduce_max3A_343 = vector.multi_reduction <maximumf>, %select_n3A_341, %reduce_max3A_342 [1] : vector<256x160xf32> to vector<256xf32>
    %broadcast_in_dim3A_344 = vector.shape_cast %reduce_max3A_343 : vector<256xf32> to vector<256x1xf32>
    %eq3A_345 = vector.broadcast %broadcast_in_dim3A_344 : vector<256x1xf32> to vector<256x160xf32>
    %eq3A_346 = arith.cmpf oeq, %select_n3A_341, %eq3A_345 : vector<256x160xf32>
    %jit3A_347 = arith.constant 1073741824 : i32
    %broadcast_in_dim3A_348 = vector.broadcast %jit3A_347 : i32 to vector<256x160xi32>
    %select_n3A_349 = arith.select %eq3A_346, %iota3A_151, %broadcast_in_dim3A_348 : vector<256x160xi1>, vector<256x160xi32>
    %reduce_min3A_350 = arith.constant dense<2147483647> : vector<256xi32>
    %reduce_min3A_351 = vector.multi_reduction <minsi>, %select_n3A_349, %reduce_min3A_350 [1] : vector<256x160xi32> to vector<256xi32>
    %broadcast_in_dim3A_352 = vector.shape_cast %reduce_min3A_351 : vector<256xi32> to vector<256x1xi32>
    %eq3A_353 = vector.broadcast %broadcast_in_dim3A_352 : vector<256x1xi32> to vector<256x160xi32>
    %eq3A_354 = arith.cmpi eq, %iota3A_151, %eq3A_353 : vector<256x160xi32>
    %jit3A_355 = arith.constant 0 : i32
    %broadcast_in_dim3A_356 = vector.broadcast %jit3A_355 : i32 to vector<256x160xi32>
    %select_n3A_357 = arith.select %eq3A_354, %get3A_145, %broadcast_in_dim3A_356 : vector<256x160xi1>, vector<256x160xi32>
    %reduce_sum3A_358 = arith.constant dense<0> : vector<256xi32>
    %reduce_sum3A_359 = vector.multi_reduction <add>, %select_n3A_357, %reduce_sum3A_358 [1] : vector<256x160xi32> to vector<256xi32>
    %broadcast_in_dim3A_360 = vector.shape_cast %reduce_sum3A_359 : vector<256xi32> to vector<256x1xi32>
    %eq3A_361 = vector.broadcast %broadcast_in_dim3A_352 : vector<256x1xi32> to vector<256x160xi32>
    %eq3A_362 = arith.cmpi eq, %iota3A_151, %eq3A_361 : vector<256x160xi32>
    %jit3A_363 = arith.constant 0xFF800000 : f32
    %broadcast_in_dim3A_364 = vector.broadcast %jit3A_363 : f32 to vector<256x160xf32>
    %select_n3A_365 = arith.select %eq3A_362, %broadcast_in_dim3A_364, %select_n3A_341 : vector<256x160xi1>, vector<256x160xf32>
    %reduce_max3A_366 = arith.constant dense<0xFF800000> : vector<256xf32>
    %reduce_max3A_367 = vector.multi_reduction <maximumf>, %select_n3A_365, %reduce_max3A_366 [1] : vector<256x160xf32> to vector<256xf32>
    %broadcast_in_dim3A_368 = vector.shape_cast %reduce_max3A_367 : vector<256xf32> to vector<256x1xf32>
    %eq3A_369 = vector.broadcast %broadcast_in_dim3A_368 : vector<256x1xf32> to vector<256x160xf32>
    %eq3A_370 = arith.cmpf oeq, %select_n3A_365, %eq3A_369 : vector<256x160xf32>
    %jit3A_371 = arith.constant 1073741824 : i32
    %broadcast_in_dim3A_372 = vector.broadcast %jit3A_371 : i32 to vector<256x160xi32>
    %select_n3A_373 = arith.select %eq3A_370, %iota3A_151, %broadcast_in_dim3A_372 : vector<256x160xi1>, vector<256x160xi32>
    %reduce_min3A_374 = arith.constant dense<2147483647> : vector<256xi32>
    %reduce_min3A_375 = vector.multi_reduction <minsi>, %select_n3A_373, %reduce_min3A_374 [1] : vector<256x160xi32> to vector<256xi32>
    %broadcast_in_dim3A_376 = vector.shape_cast %reduce_min3A_375 : vector<256xi32> to vector<256x1xi32>
    %eq3A_377 = vector.broadcast %broadcast_in_dim3A_376 : vector<256x1xi32> to vector<256x160xi32>
    %eq3A_378 = arith.cmpi eq, %iota3A_151, %eq3A_377 : vector<256x160xi32>
    %jit3A_379 = arith.constant 0 : i32
    %broadcast_in_dim3A_380 = vector.broadcast %jit3A_379 : i32 to vector<256x160xi32>
    %select_n3A_381 = arith.select %eq3A_378, %get3A_145, %broadcast_in_dim3A_380 : vector<256x160xi1>, vector<256x160xi32>
    %reduce_sum3A_382 = arith.constant dense<0> : vector<256xi32>
    %reduce_sum3A_383 = vector.multi_reduction <add>, %select_n3A_381, %reduce_sum3A_382 [1] : vector<256x160xi32> to vector<256xi32>
    %broadcast_in_dim3A_384 = vector.shape_cast %reduce_sum3A_383 : vector<256xi32> to vector<256x1xi32>
    %concatenate3A_385 = tpu.concatenate %broadcast_in_dim3A_154, %broadcast_in_dim3A_176, %broadcast_in_dim3A_200, %broadcast_in_dim3A_224, %broadcast_in_dim3A_248, %broadcast_in_dim3A_272, %broadcast_in_dim3A_296, %broadcast_in_dim3A_320, %broadcast_in_dim3A_344, %broadcast_in_dim3A_368 in 1 : vector<256x1xf32>, vector<256x1xf32>, vector<256x1xf32>, vector<256x1xf32>, vector<256x1xf32>, vector<256x1xf32>, vector<256x1xf32>, vector<256x1xf32>, vector<256x1xf32>, vector<256x1xf32> -> vector<256x10xf32>
    %swap3A = arith.constant 0 : index
    %swap3A_386 = arith.constant 0 : index
    %swap3A_387 = vector.load %arg4[%swap3A, %swap3A_386] : memref<256x10xf32, #tpu.memory_space<vmem>>, vector<256x10xf32>
    tpu.vector_store %arg4[%swap3A, %swap3A_386], %concatenate3A_385 {strides = array<i32>} : memref<256x10xf32, #tpu.memory_space<vmem>>, vector<256x10xf32>,
    %concatenate3A_388 = tpu.concatenate %broadcast_in_dim3A_168, %broadcast_in_dim3A_192, %broadcast_in_dim3A_216, %broadcast_in_dim3A_240, %broadcast_in_dim3A_264, %broadcast_in_dim3A_288, %broadcast_in_dim3A_312, %broadcast_in_dim3A_336, %broadcast_in_dim3A_360, %broadcast_in_dim3A_384 in 1 : vector<256x1xi32>, vector<256x1xi32>, vector<256x1xi32>, vector<256x1xi32>, vector<256x1xi32>, vector<256x1xi32>, vector<256x1xi32>, vector<256x1xi32>, vector<256x1xi32>, vector<256x1xi32> -> vector<256x10xi32>
    %swap3A_389 = arith.constant 0 : index
    %swap3A_390 = arith.constant 0 : index
    %swap3A_391 = vector.load %arg5[%swap3A_389, %swap3A_390] : memref<256x10xi32, #tpu.memory_space<vmem>>, vector<256x10xi32>
    tpu.vector_store %arg5[%swap3A_389, %swap3A_390], %concatenate3A_388 {strides = array<i32>} : memref<256x10xi32, #tpu.memory_space<vmem>>, vector<256x10xi32>,
    return
  }
  func.func @transform_0(%arg0: i32) -> (i32, i32) {
    %c0_i32 = arith.constant 0 : i32
    %c0_i32_0 = arith.constant 0 : i32
    return %arg0, %c0_i32 : i32, i32
  }
  func.func @transform_1(%arg0: i32) -> (i32, i32) {
    %c0_i32 = arith.constant 0 : i32
    %c0_i32_0 = arith.constant 0 : i32
    return %arg0, %c0_i32 : i32, i32
  }
  func.func @transform_2(%arg0: i32) -> (i32, i32) {
    %c0_i32 = arith.constant 0 : i32
    %c0_i32_0 = arith.constant 0 : i32
    return %arg0, %c0_i32 : i32, i32
  }
  func.func @transform_3(%arg0: i32) -> (i32, i32) {
    %c0_i32 = arith.constant 0 : i32
    %c0_i32_0 = arith.constant 0 : i32
    return %arg0, %c0_i32 : i32, i32
  }
  func.func @transform_4(%arg0: i32) -> (i32, i32) {
    %c0_i32 = arith.constant 0 : i32
    %c0_i32_0 = arith.constant 0 : i32
    return %arg0, %c0_i32 : i32, i32
  }
}

</mosaic_0001>

<sc_bundles>
// kernel: gather_offload_async_start
scs
__scs_entry_jumppad:
0x0: {  	(pc) =	sbr.rel $0x88, $3  }
0x1: {  	(tag) =	ssettag $0x0;
	lr =	simm.s32 $0x1  }
0x2: {  	[smem:$0x3F9E] =	sst lr;
	_ =	strace $0xD0000000  }
0x3: {  	_ = 	snop  }
0x4: {  	_ = 	snop  }
0x5: {  	_ = 	snop  }
0x6: {  	_ = 	snop  }
0x7: {  	_ = 	snop  }
__scs_overlays_trampoline_lowered:
0x8: {  	[smem:$0x3FAD] =	sst s0  }
0x9: {  	[smem:$0x3FAE] =	sst s1  }
0xa: {  	[smem:$0x3FAF] =	sst s2  }
0xb: {  	[smem:$0x3FB0] =	sst s3  }
0xc: {  	[smem:$0x3FB1] =	sst s4  }
0xd: {  	[smem:$0x3FB2] =	sst s5  }
0xe: {  	[smem:$0x3FB3] =	sst s6  }
0xf: {  	[smem:$0x3FB4] =	sst s7  }
0x10: {  	[smem:$0x3FB5] =	sst s8  }
0x11: {  	[smem:$0x3FB6] =	sst s9;
	s0 =	simm.s32 @!p0 $0x0  }
0x12: {  	s1 =	sld [smem:$0x3F9C];
	s0 =	simm.s32 @p0 $0x1  }
0x13: {  	[smem:$0x3FB7] =	sst s0;
	s0 =	simm.s32 @!p1 $0x0  }
0x14: {  	s2 =	sld [smem:$0x3F9B];
	s0 =	simm.s32 @p1 $0x1  }
0x15: {  	[smem:$0x3FB8] =	sst s0;
	s0 =	simm.s32 @!p2 $0x0  }
0x16: {  	s3 =	sld [smem:$0x3FDB];
	s0 =	simm.s32 @p2 $0x1  }
0x17: {  	s4 =	simm.s32 $0x1BF5;
	[smem:$0x3FBA] =	sst s0  }
0x18: {  	s0 =	sld [smem:$0x3F9D];
	_ =	swait.ge [sflag:s4], $0x0  }
0x19: {  	s7 =	sld [smem:$0x3F9E]  }
0x1a: {  	s8 =	sadd.s32 $0xFFFFE003, lr  }
0x1b: {  	s9 =	sadd.s32 $0xFFFFFEF7, lr;
	s5 =	simm.s32 $0xFFFFFFFF;
	p2 =	slt.u32 s8, $0xFFFFF086  }
0x1c: {  	p1 =	slt.u32 s9, $0xF7A;
	s5 =	simm.s32 @!p2 $0x0  }
0x1d: {  	s5 =	simm.s32 @p1 $0x1;
	p0 =	seq.s32 s7, s2  }
0x1e: {  	s7 =	smul.u32 @!p0 $0xF7A, s2;
	p2 =	seq.s32 @!p0 s5, $0x0  }
0x1f: {  	s9 =	smul.u32 $0xF7A, s1;
	s8 =	simm.s32 @!p0 $0x1BF5;
	p2 =	por !p2, p0  }
0x20: {  	[sflag:s8] =	ssyncset.s32 @!p0 $0xFFFFF086;
	s6 =	sadd.s32 @!p0 s3, s7;
	s7 =	simm.s32 @!p0 $0x108  }
0x21: {  	s3 =	sadd.s32 s3, s9;
	s6 =	sadd.s32 @!p0 $0x88, s6;
	s7 =	simm.s32 @p2 $0x1082  }
0x22: {  	[simem:s7], [sflag:s8] =	dma.local @!p0 [hbm:s6], $0xF7A  }
0x23: {  	s9 =	sor.u32 $0xD0000000, s2;
	s6 =	simm.s32 $0x108;
	_ =	swait.ge @!p0 [sflag:s8], $0x0  }
0x24: {  	s3 =	sadd.s32 $0x88, s3;
	s6 =	simm.s32 @!p1 $0x1082;
	[sflag:s4] =	ssyncset.s32 $0xFFFFF086  }
0x25: {  	[simem:s6], [sflag:s4] =	dma.local [hbm:s3], $0xF7A  }
0x26: {  	[smem:$0x3F9E] =	sst s1;
	(tag) =	ssettag s2;
	_ =	strace s9  }
0x27: {  	s1 =	sld [smem:$0x3FAE]  }
0x28: {  	s2 =	sld [smem:$0x3FAF]  }
0x29: {  	s4 =	sld [smem:$0x3FB1]  }
0x2a: {  	p0 =	seq.s32 s5, $0x0;
	s5 =	sld [smem:$0x3FB2]  }
0x2b: {  	s6 =	sld [smem:$0x3FB3]  }
0x2c: {  	s7 =	sld [smem:$0x3FB4]  }
0x2d: {  	s3 =	simm.s32 $0x108;
	s8 =	sld [smem:$0x3FB5]  }
0x2e: {  	s3 =	simm.s32 @!p0 $0x1082;
	s9 =	sld [smem:$0x3FB6]  }
0x2f: {  	lr =	sadd.s32 s0, s3;
	s0 =	sld [smem:$0x3FAD]  }
0x30: {  	s3 =	sld [smem:$0x3FB0]  }
0x31: {  	[smem:$0x3FB9] =	sst s10  }
0x32: {  	s10 =	sld [smem:$0x3FB7];
	_ =	sdelay $0x3  }
0x33: {  	p0 =	seq.s32 s10, $0x1;
	s10 =	sld [smem:$0x3FB9];
	_ =	sdelay $0x3  }
0x34: {  	[smem:$0x3FB9] =	sst s10  }
0x35: {  	s10 =	sld [smem:$0x3FB8];
	_ =	sdelay $0x3  }
0x36: {  	p1 =	seq.s32 s10, $0x1;
	s10 =	sld [smem:$0x3FB9];
	_ =	sdelay $0x3  }
0x37: {  	[smem:$0x3FB9] =	sst s10  }
0x38: {  	s10 =	sld [smem:$0x3FBA]  }
0x39: {  	_ = 	snop;
	(pc) =	sbr.ind lr, $3  }
0x3a: {  	_ = 	snop  }
0x3b: {  	_ = 	snop  }
0x3c: {  	p2 =	seq.s32 s10, $0x1;
	s10 =	sld [smem:$0x3FB9]  }
0x3d: {  	_ =	shalt  }
0x3e: {  	_ =	shalt  }
0x3f: {  	_ =	shalt  }
0x40: {  	_ =	shalt  }
0x41: {  	_ =	shalt  }
0x42: {  	_ =	shalt  }
0x43: {  	_ =	shalt  }
0x44: {  	_ =	shalt  }
0x45: {  	_ =	shalt  }
0x46: {  	_ =	shalt  }
0x47: {  	_ =	shalt  }
0x48: {  	_ =	shalt  }
0x49: {  	_ =	shalt  }
0x4a: {  	_ =	shalt  }
0x4b: {  	_ =	shalt  }
0x4c: {  	_ =	shalt  }
0x4d: {  	_ =	shalt  }
0x4e: {  	_ =	shalt  }
0x4f: {  	_ =	shalt  }
0x50: {  	_ =	shalt  }
0x51: {  	_ =	shalt  }
0x52: {  	_ =	shalt  }
0x53: {  	_ =	shalt  }
0x54: {  	_ =	shalt  }
0x55: {  	_ =	shalt  }
0x56: {  	_ =	shalt  }
0x57: {  	_ =	shalt  }
0x58: {  	_ =	shalt  }
0x59: {  	_ =	shalt  }
0x5a: {  	_ =	shalt  }
0x5b: {  	_ =	shalt  }
0x5c: {  	_ =	shalt  }
0x5d: {  	_ =	shalt  }
0x5e: {  	_ =	shalt  }
0x5f: {  	_ =	shalt  }
0x60: {  	_ =	shalt  }
0x61: {  	_ =	shalt  }
0x62: {  	_ =	shalt  }
0x63: {  	_ =	shalt  }
0x64: {  	_ =	shalt  }
0x65: {  	_ =	shalt  }
0x66: {  	_ =	shalt  }
0x67: {  	_ =	shalt  }
0x68: {  	_ =	shalt  }
0x69: {  	_ =	shalt  }
0x6a: {  	_ =	shalt  }
0x6b: {  	_ =	shalt  }
0x6c: {  	_ =	shalt  }
0x6d: {  	_ =	shalt  }
0x6e: {  	_ =	shalt  }
0x6f: {  	_ =	shalt  }
0x70: {  	_ =	shalt  }
0x71: {  	_ =	shalt  }
0x72: {  	_ =	shalt  }
0x73: {  	_ =	shalt  }
0x74: {  	_ =	shalt  }
0x75: {  	_ =	shalt  }
0x76: {  	_ =	shalt  }
0x77: {  	_ =	shalt  }
0x78: {  	_ =	shalt  }
0x79: {  	_ =	shalt  }
0x7a: {  	_ =	shalt  }
0x7b: {  	_ =	shalt  }
0x7c: {  	_ =	shalt  }
0x7d: {  	_ =	shalt  }
0x7e: {  	_ =	shalt  }
0x7f: {  	_ =	shalt  }
0x80: {  	_ =	shalt  }
0x81: {  	_ =	shalt  }
0x82: {  	_ =	shalt  }
0x83: {  	_ =	shalt  }
0x84: {  	_ =	shalt  }
0x85: {  	_ =	shalt  }
0x86: {  	_ =	shalt  }
0x87: {  	_ =	shalt  }
.Lfunc_end0:
.L_simem_size_0:
called_computation_lowered:
.L_overlay_start_0:
0x88: {  	s2 =	sld [smem:$0x3FD9]  }
0x89: {  	s3 =	sld [smem:$0x3FFE];
	_ =	sdelay $0x1  }
0x8a: {  	s1 =	srdreg.scid  }
0x8b: {  	s0 =	sand.u32 $0x1, s1  }
0x8c: {  	s14 =	sshll.u32 s0, $0xA;
	s2 =	sadd.s32 s3, s2  }
0x8d: {  	s2 =	sadd.s32 s2, s14  }
0x8e: {  	[smem:$0x3FC5] =	sst s2  }
0x8f: {  	_ = 	snop  }
0x90: {  	s2 =	sld [smem:$0x3FD0];
	_ =	sdelay $0x2  }
0x91: {  	s4 =	simm.s32 $0xA;
	s5 =	simm.s32 $0x10;
	s15 =	sld [smem:$0x3FC7]  }
0x92: {  	[smem:s5], [sflag:s4] =	dma.local [hbm:s2], $0x1  }
0x93: {  	_ =	swait.eq [sflag:s4], $0x1  }
0x94: {  	[sflag:s4] =	ssyncset.done $0x0  }
0x95: {  	[sflag:s4] =	ssyncadd.s32 $0xFFFFFFFF  }
0x96: {  	s16 =	sld [smem:$0x11];
	(tm) =	ssettm $0x1  }
0x97: {  	s17 =	sld [smem:$0x3FFB];
	_ =	sdelay $0x3  }
0x98: {  	_ =	strace s17  }
0x99: {  	s4 =	sld [smem:$0x3FFC];
	_ =	sdelay $0x3  }
0x9a: {  	_ =	strace s4  }
0x9b: {  	s4 =	sld [smem:$0x3FFD];
	_ =	sdelay $0x3  }
0x9c: {  	_ =	strace s4  }
0x9d: {  	_ =	strace $0x8FFFFFFF  }
0x9e: {  	s18 =	sld [smem:$0x3FDB];
	_ =	sdelay $0x1  }
0x9f: {  	s19 =	simm.s32 $_scs_section_size  }
0xa0: {  	s6 =	simm.s32 $_size__tile_overlayer_lowered;
	s7 =	simm.s32 $_tile_overlayer_lowered  }
0xa1: {  	s22 =	simm.s32 $0x1BFF;
	s21 =	sshll.u32 s7, $0x1;
	s4 =	sadd.s32 s19, s18  }
0xa2: {  	s8 =	simm.s32 $0x0;
	s20 =	sshll.u32 s6, $0x1;
	s6 =	sadd.s32 s21, s4  }
0xa3: {  	[timem:s8], [sflag:s22] =	dma.local [hbm:s6], s20  }
0xa4: {  	_ =	swait.ge [sflag:s22], s20  }
0xa5: {  	s5 =	ssub.s32 $0x0, s20;
	[sflag:s22] =	ssyncset.done $0x0  }
0xa6: {  	[sflag:s22] =	ssyncadd.s32 s5;
	_ =	sdelay $0x1  }
0xa7: {  	s23 =	simm.s32 $0x1B8B  }
0xa8: {  	_ =	swait.ge [sflag:s23], $0x1  }
0xa9: {  	[sflag:s23] =	ssyncset.done $0x0  }
0xaa: {  	s25 =	simm.s32 $0x1B8E;
	s24 =	sld [smem:$0x3FFE];
	[sflag:s23] =	ssyncadd.s32 $0xFFFFFFFF  }
0xab: {  	s26 =	simm.s32 $execute0_lowered;
	[smem:$0x3FD2] =	sst s25  }
0xac: {  	s6 =	sshll.u32 s26, $0x1;
	_ =	strace $0x80000049;
	[dreg:$0x1] =	wrdreg $0xFFFFFFFF  }
0xad: {  	s28 =	simm.s32 $_size_execute0_lowered;
	s4 =	sadd.s32 s4, s6;
	[dreg:$0x0] =	wrdreg $0x0  }
0xae: {  	s6 =	sshll.u32 s28, $0x1;
	[dreg:$0x2] =	wrdreg s4  }
0xaf: {  	[dreg:$0x3] =	wrdreg s6  }
0xb0: {  	[dreg:$0x4] =	wrdreg $0xC0  }
0xb1: {  	_ =	task [dreg:s8], $0x5FFFF  }
0xb2: {  	[dreg:$0x1] =	wrdreg $0xFFFFFFFF  }
0xb3: {  	[dreg:$0x0] =	wrdreg $0x60  }
0xb4: {  	[dreg:$0x2] =	wrdreg s15  }
0xb5: {  	[dreg:$0x3] =	wrdreg s16  }
0xb6: {  	[dreg:$0x4] =	wrdreg s24  }
0xb7: {  	[dreg:$0x5] =	wrdreg $0x9  }
0xb8: {  	_ =	task.clear_ibuf [dreg:s8], $0x6FFFF;
	_ =	strace $0x90000049  }
0xb9: {  	s29 =	simm.s32 $0x9;
	_ =	strace $0x8000004B  }
0xba: {  	_ =	swait.ge [sflag:s29], $0x1  }
0xbb: {  	[sflag:s29] =	ssyncadd.s32 $0xFFFFFFFF  }
0xbc: {  	_ =	strace $0x9000004B  }
0xbd: {  	_ =	sfence  }
0xbe: {  	s30 =	sld [smem:$0x0];
	_ =	sdelay $0x2  }
0xbf: {  	s31 =	sshll.u32 s1, $0xD;
	s1 =	sshrl.u32 s1, $0x2  }
0xc0: {  	s3 =	sand.u32 $0x4000, s31;
	s1 =	sadd.s32 s1, s30  }
0xc1: {  	s0 =	sor.u32 s3, s0;
	s1 =	sshll.u32 s1, $0x11  }
0xc2: {  	s0 =	sor.u32 s1, s0  }
0xc3: {  	s0 =	sadd.s32 $0x8F2B, s0  }
0xc4: {  	[sflag:s0] =	ssyncadd.remote.s32 $0x1  }
0xc5: {  	_ =	sfence.sel $0xFFFF  }
0xc6: {  	[dreg:$0x0] =	wrdreg $0xFFFFFFFF;
	(pc) =	sbr.abs _section_cstart, $3  }
0xc7: {  	[dreg:$0x1] =	wrdreg $0xFFFFFFFF  }
0xc8: {  	_ =	task.clear_ibuf [dreg:s8], $0x2FFFF;
	_ =	strace $0x9FFFFFFF  }
0xc9: {  	(tm) =	ssettm $0x7FFFFFFF  }
tec
execute0_lowered:
.L_overlay_start_1:
0x0: {  	(tag) =	ssettag $0x1  }
0x1: {  	s2 =	rddreg [dreg:$0x0]  }
0x2: {  	s1 =	srdreg.scid;
	s3 =	rddreg [dreg:$0x1]  }
0x3: {  	s0 =	stileid.u32;
	s5 =	rddreg [dreg:$0x2]  }
0x4: {  	s9 =	simm.s32 $0x1;
	s10 =	simm.s32 $0x3;
	s1 =	sshll.u32 s1, $0x8  }
0x5: {  	s13 =	simm.s32 $0x0;
	s4 =	sshll.u32 s0, $0x9;
	s6 =	sand.u32 $0x100, s1  }
0x6: {  	s12 =	simm.s32 $0x0;
	s5 =	sadd.s32 $0x5000, s5;
	s4 =	sor.u32 s4, s6  }
0x7: {  	s1 =	rddreg [dreg:$0x3];
	_ =	strace $0x8000004A;
	s8 =	ssub.s32 $0x2800, s4  }
.Ltmp0:
0x8: {  	s6 =	simm.s32 $0x1;
	s7 =	sand.u32 $0x1F00, s8;
	(pc) =	sbr.rel .LBB2_1-.Ltmp0, $4  }
0x9: {  	[sflag:s6] =	ssyncpa.u1 $0x0;
	s11 =	smov.u32 s4;
	p0 =	sne.s32 s7, $0x0  }
0xa: {  	s8 =	sshrl.u32 s8, $0xD;
	s7 =	simm.s32 $0x2;
	s9 =	simm.s32 @!p0 $0x0  }
0xb: {  	[sflag:s7] =	ssyncpa.u1 $0x0;
	p0 =	por $0x0, $0x0;
	s8 =	sadd.s32 s9, s8  }
0xc: {  	vm0 =	vmmov $0xffff;
	[sflag:s10] =	ssyncpa.u1 $0x0;
	s10 =	simm.s32 $0x0;
	s9 =	sadd.s32 $0x1, s8  }
.LBB2_4:
0xd: {  	v2 =	vnsel vm1, $0x0, v2  }
0xe: {  	vm1 =	vgt.s32 v0, $0x0;
	v2 =	vmin.u32 v2, $0x1869F  }
0xf: {  	v0 =	vnsel vm1, $0x0, v0  }
0x10: {  	v0 =	vmin.u32 v0, $0x1869F  }
0x11: {  	[tilespmem:s15], [sflag:$0x1] =	stream.indirect_vreg.gather [hbm4b:s2+s10], $0x1, v1, vm0, $0x4038;
	[tilespmem:$0x400] =	vst v63  }
0x12: {  	(ifvalue) =	ssetifvalue $0x7FFFFFFF  }
0x13: {  	[tilespmem:s16], [sflag:$0x1] =	stream.indirect_vreg.gather [hbm4b:s2+s10], $0x1, v2, vm0, $0x4038;
	[tilespmem:$0x400] =	vst v63  }
0x14: {  	s29 =	sadd.s32 $0x10, s16;
	(ifvalue) =	ssetifvalue $0x7FFFFFFF  }
0x15: {  	[tilespmem:s29], [sflag:$0x1] =	stream.indirect_vreg.gather [hbm4b:s2+s10], $0x1, v0, vm0, $0x4038;
	[tilespmem:$0x400] =	vst v63  }
0x16: {  	_ =	swait.ge [sflag:s6], $0x100  }
0x17: {  	s30 =	sshrl.u32 s13, $0x3;
	[sflag:s6] =	ssyncset.done $0x0  }
0x18: {  	s31 =	sand.u32 $0x7, s13;
	s15 =	sadd.s32 s5, s30;
	[sflag:s6] =	ssyncadd.s32 $0xFFFFFF00  }
0x19: {  	[hbm4b:s15+s31] =	stream.linear.scatter [tilespmem:s14], [sflag:$0x3], $0x100, $0x38;
	[tilespmem:$0x400] =	vst v63  }
.LBB2_5:
0x1a: {  	s15 =	sadd.s32 $0x2000, s11  }
0x1b: {  	p2 =	sgt.s32 s15, $0x27FF  }
0x1c: {  	s15 =	smov.u32 @p2 s4;
	p2 =	sne.s32 s12, s9  }
.Ltmp1:
0x1d: {  	p1 =	slt.u32 s12, $0x2;
	(pc) =	sbr.rel @!p2 .LBB2_6-.Ltmp1, $4  }
0x1e: {  	s14 =	simm.s32 @!p1 $0x3  }
0x1f: {  	s16 =	sadd.s32 $0x1, s12;
	_ =	swait.ge @!p1 [sflag:s14], $0x100  }
0x20: {  	s13 =	smov.u32 s11;
	p0 =	por !p0, !p0;
	[sflag:s14] =	ssyncset.done @!p1 $0x0  }
0x21: {  	s12 =	smov.u32 s16;
	s11 =	smov.u32 s15;
	[sflag:s14] =	ssyncadd.s32 @!p1 $0xFFFFFF00  }
.LBB2_1:
0x22: {  	p1 =	sge.u32 s12, s8  }
0x23: {  	s14 =	sxor.u32 @!p1 $0xFFFFFFFF, s12  }
0x24: {  	s31 =	sadd.s32 $0xFFFFFFFF, s12;
	s15 =	sshrl.u32 @!p1 s11, $0x3;
	s14 =	sshll.u32 @!p1 s14, $0x8  }
0x25: {  	s16 =	sand.u32 @!p1 $0x7, s11;
	s15 =	sadd.s32 @!p1 s3, s15;
	s14 =	sand.u32 @!p1 $0x100, s14  }
0x26: {  	[tilespmem:s14], [sflag:$0x2] =	stream.linear.gather @!p1 [hbm4b:s15+s16], $0x100, $0x38;
	[tilespmem:$0x400] =	vst v63  }
0x27: {  	p1 =	sge.u32 s31, s8  }
.Ltmp2:
0x28: {  	_ = 	snop;
	(pc) =	sbr.rel @p1 .LBB2_5-.Ltmp2, $1  }
0x29: {  	_ =	sdelay $0x3  }
0x2a: {  	s14 =	simm.s32 $0x1  }
0x2b: {  	_ =	swait.ge [sflag:s7], $0x100;
	s14 =	simm.s32 @!p0 $0x0  }
0x2c: {  	[sflag:s7] =	ssyncset.done $0x0;
	s14 =	sshll.u32 s14, $0x8  }
0x2d: {  	[sflag:s7] =	ssyncadd.s32 $0xFFFFFF00;
	(ifvalue) =	ssetifvalue $0x7FFFFFFF;
	v0 =	vld.msk [tilespmem:s14+$0x0 ss:$0x1], $0xffff;
	_ =	sdelay $0x4  }
0x2e: {  	s15 =	sadd.s32 $0x10, s14;
	vm1 =	vgt.s32 v0, $0x0  }
0x2f: {  	v2 =	vld.msk [tilespmem:s15+$0x0 ss:$0x1], $0xffff;
	v1 =	vnsel vm1, $0x0, v0  }
0x30: {  	v1 =	vmin.u32 v1, $0x1869F;
	_ =	sdelay $0x1  }
0x31: {  	s16 =	sshll.u32 s12, $0x8;
	s18 =	simm.s32 $0x20  }
0x32: {  	s16 =	sand.u32 $0x100, s16;
	s17 =	sadd.s32 $0x10, s15;
	s15 =	sor.u32 $0x200, s14  }
0x33: {  	s14 =	sor.u32 $0x200, s16;
	s16 =	sadd.s32 $0x10, s15;
	v0 =	vld.msk [tilespmem:s17+$0x0 ss:$0x1], $0xffff;
	vm1 =	vgt.s32 v2, $0x0;
	(ifvalue) =	ssetifvalue $0x7FFFFFFF  }
.LBB2_3:
0x34: {  	[tilespmem:s15], [sflag:$0x1] =	stream.indirect_vreg.gather [hbm4b:s2+s10], $0x1, v1, vm0, $0x4038;
	[tilespmem:$0x400] =	vst v63  }
0x35: {  	s18 =	sadd.s32 $0x10, s18  }
0x36: {  	v2 =	vnsel vm1, $0x0, v2;
	p1 =	slt.u32 s18, $0xF0  }
.Ltmp3:
0x37: {  	s15 =	smov.u32 s16;
	v1 =	vmin.u32 v2, $0x1869F;
	(pc) =	sbr.rel @p1 .LBB2_3-.Ltmp3, $3  }
0x38: {  	_ =	sdelay $0x1  }
0x39: {  	s17 =	sadd.s32 $0x10, s17  }
0x3a: {  	vm1 =	vgt.s32 v0, $0x0;
	s16 =	sadd.s32 $0x10, s16;
	v2 =	vmov v0;
	(ifvalue) =	ssetifvalue $0x7FFFFFFF;
	v0 =	vld.msk [tilespmem:s17+$0x0 ss:$0x1], $0xffff  }
.Ltmp4:
0x3b: {  	_ = 	snop;
	(pc) =	sbr.rel .LBB2_4-.Ltmp4, $1  }
0x3c: {  	_ =	sdelay $0x3  }
.LBB2_6:
0x3d: {  	_ =	sfence.sel $0x180000  }
0x3e: {  	s2 =	simm.s32 $0x2;
	[bflag:$0x0] =	sbarrier.arrive $0xFFFF  }
0x3f: {  	s30 =	simm.s32 $0x3;
	[sflag:s2] =	ssyncpa.u1 $0x1  }
0x40: {  	s31 =	simm.s32 $0x1;
	[sflag:s30] =	ssyncpa.u1 $0x1  }
0x41: {  	[sflag:s31] =	ssyncpa.u1 $0x1  }
0x42: {  	p0 =	sne.s32 s0, $0x0;
	_ =	strace $0x9000004A  }
0x43: {  	s0 =	sadd.s32 @!p0 $0x100000, s1;
	[bflag:$0x2] =	sbarrier.arrive $0xFFFF  }
0x44: {  	[sflag:s0] =	ssyncadd.tile.s32 @!p0 $0x1;
	_ =	shalt  }
.Lfunc_end2:
_tile_overlayer_lowered:
.L_overlay_start_2:
0x45: {  	(tag) =	ssettag $0x2  }
0x46: {  	s0 =	rddreg [dreg:$0x0];
	s2 =	stileid.u32  }
0x47: {  	s1 =	rddreg [dreg:$0x1];
	p0 =	sne.s32 s2, $0x0  }
0x48: {  	s3 =	rddreg [dreg:$0x2];
	[bflag:$0x3] =	sbarrier.arrive $0xFFFF;
	s2 =	simm.s32 @!p0 $0x1C01  }
0x49: {  	[timem:s3], [sflag:s2] =	dma.local @!p0 [hbm:s0], s1  }
0x4a: {  	s0 =	simm.s32 @!p0 $0x1  }
0x4b: {  	_ =	swait.ge @!p0 [sflag:s0], s1  }
0x4c: {  	s1 =	ssub.s32 @!p0 $0x0, s1;
	[sflag:s0] =	ssyncset.done @!p0 $0x0  }
0x4d: {  	[sflag:s0] =	ssyncadd.s32 @!p0 s1  }
0x4e: {  	[bflag:$0x3] =	sbarrier.arrive $0xFFFF  }
0x4f: {  	_ =	shalt  }

// kernel: kernel.6.cloned.1.call-start
scs
__scs_entry_jumppad:
0x0: {  	(pc) =	sbr.rel $0x88, $3  }
0x1: {  	(tag) =	ssettag $0x0;
	lr =	simm.s32 $0x1  }
0x2: {  	[smem:$0x3F9E] =	sst lr;
	_ =	strace $0xD0000000  }
0x3: {  	_ = 	snop  }
0x4: {  	_ = 	snop  }
0x5: {  	_ = 	snop  }
0x6: {  	_ = 	snop  }
0x7: {  	_ = 	snop  }
__scs_overlays_trampoline_lowered:
0x8: {  	[smem:$0x3FAD] =	sst s0  }
0x9: {  	[smem:$0x3FAE] =	sst s1  }
0xa: {  	[smem:$0x3FAF] =	sst s2  }
0xb: {  	[smem:$0x3FB0] =	sst s3  }
0xc: {  	[smem:$0x3FB1] =	sst s4  }
0xd: {  	[smem:$0x3FB2] =	sst s5  }
0xe: {  	[smem:$0x3FB3] =	sst s6  }
0xf: {  	[smem:$0x3FB4] =	sst s7  }
0x10: {  	[smem:$0x3FB5] =	sst s8  }
0x11: {  	[smem:$0x3FB6] =	sst s9;
	s0 =	simm.s32 @!p0 $0x0  }
0x12: {  	s1 =	sld [smem:$0x3F9C];
	s0 =	simm.s32 @p0 $0x1  }
0x13: {  	[smem:$0x3FB7] =	sst s0;
	s0 =	simm.s32 @!p1 $0x0  }
0x14: {  	s2 =	sld [smem:$0x3F9B];
	s0 =	simm.s32 @p1 $0x1  }
0x15: {  	[smem:$0x3FB8] =	sst s0;
	s0 =	simm.s32 @!p2 $0x0  }
0x16: {  	s3 =	sld [smem:$0x3FDB];
	s0 =	simm.s32 @p2 $0x1  }
0x17: {  	s4 =	simm.s32 $0x1BF5;
	[smem:$0x3FBA] =	sst s0  }
0x18: {  	s0 =	sld [smem:$0x3F9D];
	_ =	swait.ge [sflag:s4], $0x0  }
0x19: {  	s7 =	sld [smem:$0x3F9E]  }
0x1a: {  	s8 =	sadd.s32 $0xFFFFE003, lr  }
0x1b: {  	s9 =	sadd.s32 $0xFFFFFEF7, lr;
	s5 =	simm.s32 $0xFFFFFFFF;
	p2 =	slt.u32 s8, $0xFFFFF086  }
0x1c: {  	p1 =	slt.u32 s9, $0xF7A;
	s5 =	simm.s32 @!p2 $0x0  }
0x1d: {  	s5 =	simm.s32 @p1 $0x1;
	p0 =	seq.s32 s7, s2  }
0x1e: {  	s7 =	smul.u32 @!p0 $0xF7A, s2;
	p2 =	seq.s32 @!p0 s5, $0x0  }
0x1f: {  	s9 =	smul.u32 $0xF7A, s1;
	s8 =	simm.s32 @!p0 $0x1BF5;
	p2 =	por !p2, p0  }
0x20: {  	[sflag:s8] =	ssyncset.s32 @!p0 $0xFFFFF086;
	s6 =	sadd.s32 @!p0 s3, s7;
	s7 =	simm.s32 @!p0 $0x108  }
0x21: {  	s3 =	sadd.s32 s3, s9;
	s6 =	sadd.s32 @!p0 $0x88, s6;
	s7 =	simm.s32 @p2 $0x1082  }
0x22: {  	[simem:s7], [sflag:s8] =	dma.local @!p0 [hbm:s6], $0xF7A  }
0x23: {  	s9 =	sor.u32 $0xD0000000, s2;
	s6 =	simm.s32 $0x108;
	_ =	swait.ge @!p0 [sflag:s8], $0x0  }
0x24: {  	s3 =	sadd.s32 $0x88, s3;
	s6 =	simm.s32 @!p1 $0x1082;
	[sflag:s4] =	ssyncset.s32 $0xFFFFF086  }
0x25: {  	[simem:s6], [sflag:s4] =	dma.local [hbm:s3], $0xF7A  }
0x26: {  	[smem:$0x3F9E] =	sst s1;
	(tag) =	ssettag s2;
	_ =	strace s9  }
0x27: {  	s1 =	sld [smem:$0x3FAE]  }
0x28: {  	s2 =	sld [smem:$0x3FAF]  }
0x29: {  	s4 =	sld [smem:$0x3FB1]  }
0x2a: {  	p0 =	seq.s32 s5, $0x0;
	s5 =	sld [smem:$0x3FB2]  }
0x2b: {  	s6 =	sld [smem:$0x3FB3]  }
0x2c: {  	s7 =	sld [smem:$0x3FB4]  }
0x2d: {  	s3 =	simm.s32 $0x108;
	s8 =	sld [smem:$0x3FB5]  }
0x2e: {  	s3 =	simm.s32 @!p0 $0x1082;
	s9 =	sld [smem:$0x3FB6]  }
0x2f: {  	lr =	sadd.s32 s0, s3;
	s0 =	sld [smem:$0x3FAD]  }
0x30: {  	s3 =	sld [smem:$0x3FB0]  }
0x31: {  	[smem:$0x3FB9] =	sst s10  }
0x32: {  	s10 =	sld [smem:$0x3FB7];
	_ =	sdelay $0x3  }
0x33: {  	p0 =	seq.s32 s10, $0x1;
	s10 =	sld [smem:$0x3FB9];
	_ =	sdelay $0x3  }
0x34: {  	[smem:$0x3FB9] =	sst s10  }
0x35: {  	s10 =	sld [smem:$0x3FB8];
	_ =	sdelay $0x3  }
0x36: {  	p1 =	seq.s32 s10, $0x1;
	s10 =	sld [smem:$0x3FB9];
	_ =	sdelay $0x3  }
0x37: {  	[smem:$0x3FB9] =	sst s10  }
0x38: {  	s10 =	sld [smem:$0x3FBA]  }
0x39: {  	_ = 	snop;
	(pc) =	sbr.ind lr, $3  }
0x3a: {  	_ = 	snop  }
0x3b: {  	_ = 	snop  }
0x3c: {  	p2 =	seq.s32 s10, $0x1;
	s10 =	sld [smem:$0x3FB9]  }
0x3d: {  	_ =	shalt  }
0x3e: {  	_ =	shalt  }
0x3f: {  	_ =	shalt  }
0x40: {  	_ =	shalt  }
0x41: {  	_ =	shalt  }
0x42: {  	_ =	shalt  }
0x43: {  	_ =	shalt  }
0x44: {  	_ =	shalt  }
0x45: {  	_ =	shalt  }
0x46: {  	_ =	shalt  }
0x47: {  	_ =	shalt  }
0x48: {  	_ =	shalt  }
0x49: {  	_ =	shalt  }
0x4a: {  	_ =	shalt  }
0x4b: {  	_ =	shalt  }
0x4c: {  	_ =	shalt  }
0x4d: {  	_ =	shalt  }
0x4e: {  	_ =	shalt  }
0x4f: {  	_ =	shalt  }
0x50: {  	_ =	shalt  }
0x51: {  	_ =	shalt  }
0x52: {  	_ =	shalt  }
0x53: {  	_ =	shalt  }
0x54: {  	_ =	shalt  }
0x55: {  	_ =	shalt  }
0x56: {  	_ =	shalt  }
0x57: {  	_ =	shalt  }
0x58: {  	_ =	shalt  }
0x59: {  	_ =	shalt  }
0x5a: {  	_ =	shalt  }
0x5b: {  	_ =	shalt  }
0x5c: {  	_ =	shalt  }
0x5d: {  	_ =	shalt  }
0x5e: {  	_ =	shalt  }
0x5f: {  	_ =	shalt  }
0x60: {  	_ =	shalt  }
0x61: {  	_ =	shalt  }
0x62: {  	_ =	shalt  }
0x63: {  	_ =	shalt  }
0x64: {  	_ =	shalt  }
0x65: {  	_ =	shalt  }
0x66: {  	_ =	shalt  }
0x67: {  	_ =	shalt  }
0x68: {  	_ =	shalt  }
0x69: {  	_ =	shalt  }
0x6a: {  	_ =	shalt  }
0x6b: {  	_ =	shalt  }
0x6c: {  	_ =	shalt  }
0x6d: {  	_ =	shalt  }
0x6e: {  	_ =	shalt  }
0x6f: {  	_ =	shalt  }
0x70: {  	_ =	shalt  }
0x71: {  	_ =	shalt  }
0x72: {  	_ =	shalt  }
0x73: {  	_ =	shalt  }
0x74: {  	_ =	shalt  }
0x75: {  	_ =	shalt  }
0x76: {  	_ =	shalt  }
0x77: {  	_ =	shalt  }
0x78: {  	_ =	shalt  }
0x79: {  	_ =	shalt  }
0x7a: {  	_ =	shalt  }
0x7b: {  	_ =	shalt  }
0x7c: {  	_ =	shalt  }
0x7d: {  	_ =	shalt  }
0x7e: {  	_ =	shalt  }
0x7f: {  	_ =	shalt  }
0x80: {  	_ =	shalt  }
0x81: {  	_ =	shalt  }
0x82: {  	_ =	shalt  }
0x83: {  	_ =	shalt  }
0x84: {  	_ =	shalt  }
0x85: {  	_ =	shalt  }
0x86: {  	_ =	shalt  }
0x87: {  	_ =	shalt  }
.Lfunc_end0:
.L_simem_size_0:
called_computation.1_lowered:
.L_overlay_start_0:
0x88: {  	s2 =	sld [smem:$0x3FD9]  }
0x89: {  	s3 =	sld [smem:$0x3FFE];
	_ =	sdelay $0x1  }
0x8a: {  	s1 =	srdreg.scid  }
0x8b: {  	s0 =	sand.u32 $0x1, s1  }
0x8c: {  	s14 =	sshll.u32 s0, $0xA;
	s2 =	sadd.s32 s3, s2  }
0x8d: {  	s2 =	sadd.s32 s2, s14  }
0x8e: {  	[smem:$0x3FC5] =	sst s2  }
0x8f: {  	_ = 	snop  }
0x90: {  	s2 =	sld [smem:$0x3FD0];
	_ =	sdelay $0x2  }
0x91: {  	s15 =	simm.s32 $0xA;
	s4 =	simm.s32 $0x10  }
0x92: {  	[smem:s4], [sflag:s15] =	dma.local [hbm:s2], $0x1  }
0x93: {  	_ =	swait.eq [sflag:s15], $0x1  }
0x94: {  	[sflag:s15] =	ssyncset.done $0x0  }
0x95: {  	[sflag:s15] =	ssyncadd.s32 $0xFFFFFFFF  }
0x96: {  	s16 =	sld [smem:$0x11];
	(tm) =	ssettm $0x1  }
0x97: {  	s17 =	sld [smem:$0x3FFB];
	_ =	sdelay $0x3  }
0x98: {  	_ =	strace s17  }
0x99: {  	s3 =	sld [smem:$0x3FFC];
	_ =	sdelay $0x3  }
0x9a: {  	_ =	strace s3  }
0x9b: {  	s3 =	sld [smem:$0x3FFD];
	_ =	sdelay $0x3  }
0x9c: {  	_ =	strace s3  }
0x9d: {  	_ =	strace $0x8FFFFFFF  }
0x9e: {  	s18 =	sld [smem:$0x3FDB];
	_ =	sdelay $0x1  }
0x9f: {  	s19 =	simm.s32 $_scs_section_size  }
0xa0: {  	s5 =	simm.s32 $_size__tile_overlayer_lowered;
	s6 =	simm.s32 $_tile_overlayer_lowered  }
0xa1: {  	s22 =	simm.s32 $0x1BFF;
	s21 =	sshll.u32 s6, $0x1;
	s3 =	sadd.s32 s19, s18  }
0xa2: {  	s7 =	simm.s32 $0x0;
	s20 =	sshll.u32 s5, $0x1;
	s5 =	sadd.s32 s21, s3  }
0xa3: {  	[timem:s7], [sflag:s22] =	dma.local [hbm:s5], s20  }
0xa4: {  	_ =	swait.ge [sflag:s22], s20  }
0xa5: {  	s4 =	ssub.s32 $0x0, s20;
	[sflag:s22] =	ssyncset.done $0x0  }
0xa6: {  	[sflag:s22] =	ssyncadd.s32 s4;
	_ =	sdelay $0x1  }
0xa7: {  	s23 =	simm.s32 $0x1B8B  }
0xa8: {  	_ =	swait.ge [sflag:s23], $0x1  }
0xa9: {  	[sflag:s23] =	ssyncset.done $0x0  }
0xaa: {  	s25 =	simm.s32 $0x1B8E;
	s24 =	sld [smem:$0x3FFE];
	[sflag:s23] =	ssyncadd.s32 $0xFFFFFFFF  }
0xab: {  	s26 =	simm.s32 $execute0_lowered;
	[smem:$0x3FD2] =	sst s25  }
0xac: {  	s5 =	sshll.u32 s26, $0x1;
	_ =	strace $0x80000046;
	[dreg:$0x1] =	wrdreg $0xFFFFFFFF  }
0xad: {  	s28 =	simm.s32 $_size_execute0_lowered;
	s3 =	sadd.s32 s3, s5;
	[dreg:$0x0] =	wrdreg $0x0  }
0xae: {  	s5 =	sshll.u32 s28, $0x1;
	[dreg:$0x2] =	wrdreg s3  }
0xaf: {  	[dreg:$0x3] =	wrdreg s5  }
0xb0: {  	[dreg:$0x4] =	wrdreg $0xC0  }
0xb1: {  	_ =	task [dreg:s7], $0x5FFFF  }
0xb2: {  	[dreg:$0x1] =	wrdreg $0xFFFFFFFF  }
0xb3: {  	[dreg:$0x0] =	wrdreg $0x60  }
0xb4: {  	[dreg:$0x2] =	wrdreg s24  }
0xb5: {  	[dreg:$0x3] =	wrdreg s16  }
0xb6: {  	[dreg:$0x4] =	wrdreg $0x9  }
0xb7: {  	_ =	task.clear_ibuf [dreg:s7], $0x5FFFF;
	_ =	strace $0x90000046  }
0xb8: {  	s29 =	simm.s32 $0x9;
	_ =	strace $0x80000048  }
0xb9: {  	_ =	swait.ge [sflag:s29], $0x1  }
0xba: {  	[sflag:s29] =	ssyncadd.s32 $0xFFFFFFFF  }
0xbb: {  	_ =	strace $0x90000048  }
0xbc: {  	_ =	sfence  }
0xbd: {  	s30 =	sld [smem:$0x0];
	_ =	sdelay $0x2  }
0xbe: {  	s31 =	sshll.u32 s1, $0xD;
	s1 =	sshrl.u32 s1, $0x2  }
0xbf: {  	s3 =	sand.u32 $0x4000, s31;
	s1 =	sadd.s32 s1, s30  }
0xc0: {  	s0 =	sor.u32 s3, s0;
	s1 =	sshll.u32 s1, $0x11  }
0xc1: {  	s0 =	sor.u32 s1, s0  }
0xc2: {  	s0 =	sadd.s32 $0x8F2B, s0  }
0xc3: {  	[sflag:s0] =	ssyncadd.remote.s32 $0x1  }
0xc4: {  	_ =	sfence.sel $0xFFFF  }
0xc5: {  	[dreg:$0x0] =	wrdreg $0xFFFFFFFF;
	(pc) =	sbr.abs _section_cstart, $3  }
0xc6: {  	[dreg:$0x1] =	wrdreg $0xFFFFFFFF  }
0xc7: {  	_ =	task.clear_ibuf [dreg:s7], $0x2FFFF;
	_ =	strace $0x9FFFFFFF  }
0xc8: {  	(tm) =	ssettm $0x7FFFFFFF  }
0xc9: {  	_ =	shalt  }
tec
execute0_lowered:
.L_overlay_start_1:
0x0: {  	(tag) =	ssettag $0x1  }
0x1: {  	s0 =	rddreg [dreg:$0x0];
	s1 =	srdreg.scid  }
0x2: {  	s2 =	stileid.u32;
	s4 =	rddreg [dreg:$0x1]  }
0x3: {  	s28 =	simm.s32 $0x1100;
	s30 =	simm.s32 $0x1900;
	s31 =	simm.s32 $0x2100  }
0x4: {  	s11 =	simm.s32 $0x5100;
	s12 =	simm.s32 $0x5900;
	s13 =	simm.s32 $0x6100  }
0x5: {  	s14 =	simm.s32 $0x6900;
	s15 =	simm.s32 $0x7100;
	s16 =	simm.s32 $0x7900  }
0x6: {  	s17 =	simm.s32 $0x8100;
	s29 =	simm.s32 $0xB100;
	s1 =	sand.u32 $0x1, s1  }
0x7: {  	s3 =	sshll.u32 s2, $0x1;
	s2 =	simm.s32 $0x0;
	s10 =	sadd.s32 $0x63000, s0  }
0x8: {  	s5 =	sor.u32 s1, s3;
	[smem:$0x7FF] =	sst s2;
	s1 =	ssub.s32 $0x2, s1  }
0x9: {  	s3 =	sadd.s32 $0x1000, s0;
	s6 =	smul.u32 $0x140, s5;
	s26 =	sshrl.u32 s1, $0x1  }
0xa: {  	_ =	strace $0x80000047;
	s5 =	smul.u32 $0x5000, s5;
	s1 =	ssub.s32 s1, s26  }
0xb: {  	s26 =	simm.s32 $0x900;
	s7 =	sshrl.u32 s6, $0x3;
	s8 =	sadd.s32 $0x50, s6  }
0xc: {  	s5 =	sadd.s32 s10, s5;
	s19 =	sadd.s32 $0xA0, s6;
	s6 =	sadd.s32 $0xF0, s6  }
0xd: {  	s7 =	sadd.s32 s4, s7;
	s9 =	sshrl.u32 s8, $0x3;
	[dreg:$0x5] =	wrdreg s5  }
0xe: {  	s20 =	sshrl.u32 s19, $0x3;
	s8 =	sshll.u32 s8, $0x6;
	s22 =	sshrl.u32 s6, $0x3  }
0xf: {  	s23 =	sshll.u32 s19, $0x6;
	s25 =	sshll.u32 s6, $0x6;
	s6 =	simm.s32 $0x3  }
0x10: {  	s19 =	simm.s32 $0x9100;
	[dreg:$0x3] =	wrdreg s7;
	s18 =	sadd.s32 s4, s9  }
0x11: {  	s5 =	sadd.s32 s4, s20;
	s21 =	sadd.s32 s10, s8;
	[dreg:$0x4] =	wrdreg s18  }
0x12: {  	s4 =	sadd.s32 s4, s22;
	s24 =	sadd.s32 s10, s23;
	[dreg:$0x6] =	wrdreg s5  }
0x13: {  	s23 =	simm.s32 $0x1;
	s7 =	simm.s32 $0x3100;
	[dreg:$0x7] =	wrdreg s21  }
0x14: {  	s8 =	simm.s32 $0x3900;
	s9 =	simm.s32 $0x4100;
	[dreg:$0x8] =	wrdreg s4  }
0x15: {  	s20 =	simm.s32 $0x9900;
	s22 =	simm.s32 $0xA900;
	[dreg:$0x9] =	wrdreg s24  }
0x16: {  	v2 =	vlaneseq.u32;
	s5 =	sadd.s32 s10, s25;
	s4 =	sadd.s32 $0x1100, s0;
	s24 =	simm.s32 $0x2  }
0x17: {  	vm0 =	vmmov $0xffff;
	v1 =	vshrl.u32 v2, $0x3;
	s21 =	simm.s32 $0x2900;
	s10 =	simm.s32 $0x4900;
	s18 =	simm.s32 $0x8900  }
0x18: {  	v0 =	vand.u32 $0x7, v2;
	v2 =	vor.u32 $0x8, v2;
	v1 =	vmul.u32 $0x8, v1;
	[dreg:$0xa] =	wrdreg s5;
	s5 =	smax.u32 s1, $0x1;
	s1 =	simm.s32 $0xA100  }
.LBB2_1:
0x19: {  	s25 =	rddreg [dreg:$0x3]  }
0x1a: {  	[tilespmem:s2], [sflag:$0x3] =	stream.linear.gather [hbm4b:s25+s2], $0x50, $0x38;
	[tilespmem:$0x14100] =	vst v63  }
0x1b: {  	_ =	swait.ge [sflag:s6], $0x50  }
0x1c: {  	[sflag:s6] =	ssyncset.done $0x0  }
0x1d: {  	[sflag:s6] =	ssyncadd.s32 $0xFFFFFFB0  }
0x1e: {  	v3 =	vld [tilespmem:$0x0];
	_ =	sdelay $0x4  }
0x1f: {  	v4 =	vshll.u32 v3, $0x2  }
0x20: {  	v3 =	vand.u32 $0x7, v3;
	v4 =	vand.u32 $0xFFFFFFE0, v4  }
0x21: {  	v3 =	vor.u32 v3, v4  }
0x22: {  	v4 =	vperm.xlane v3, v0;
	_ =	sdelay $0x1  }
0x23: {  	v4 =	vadd.s32 v1, v4;
	_ =	sdelay $0x1  }
0x24: {  	v3 =	vperm.xlane v3, v2;
	_ =	sdelay $0x1  }
0x25: {  	s0 =	simm.s32 $0x100;
	v3 =	vadd.s32 v1, v3  }
0x26: {  	[tilespmem:s0], [sflag:$0x1] =	stream.indirect_vreg.gather [hbm4b:s3+s2], $0x80, v4, vm0, $0xb8;
	[tilespmem:$0x14100] =	vst v63  }
0x27: {  	_ = 	snop  }
0x28: {  	[tilespmem:s26], [sflag:$0x1] =	stream.indirect_vreg.gather [hbm4b:s4+s2], $0x80, v4, vm0, $0xb8;
	[tilespmem:$0x14100] =	vst v63  }
0x29: {  	_ = 	snop  }
0x2a: {  	[tilespmem:s28], [sflag:$0x1] =	stream.indirect_vreg.gather [hbm4b:s3+s2], $0x80, v3, vm0, $0xb8;
	[tilespmem:$0x14100] =	vst v63  }
0x2b: {  	_ = 	snop  }
0x2c: {  	[tilespmem:s30], [sflag:$0x1] =	stream.indirect_vreg.gather [hbm4b:s4+s2], $0x80, v3, vm0, $0xb8;
	[tilespmem:$0x14100] =	vst v63  }
0x2d: {  	v3 =	vld [tilespmem:$0x10];
	_ =	sdelay $0x4  }
0x2e: {  	v45 =	vshll.u32 v3, $0x2  }
0x2f: {  	v3 =	vand.u32 $0x7, v3;
	v4 =	vand.u32 $0xFFFFFFE0, v45  }
0x30: {  	v3 =	vor.u32 v3, v4  }
0x31: {  	v4 =	vperm.xlane v3, v0;
	_ =	sdelay $0x1  }
0x32: {  	v4 =	vadd.s32 v1, v4;
	_ =	sdelay $0x1  }
0x33: {  	v3 =	vperm.xlane v3, v2;
	_ =	sdelay $0x1  }
0x34: {  	v3 =	vadd.s32 v1, v3  }
0x35: {  	[tilespmem:s31], [sflag:$0x1] =	stream.indirect_vreg.gather [hbm4b:s3+s2], $0x80, v4, vm0, $0xb8;
	[tilespmem:$0x14100] =	vst v63  }
0x36: {  	_ = 	snop  }
0x37: {  	[tilespmem:s21], [sflag:$0x1] =	stream.indirect_vreg.gather [hbm4b:s4+s2], $0x80, v4, vm0, $0xb8;
	[tilespmem:$0x14100] =	vst v63  }
0x38: {  	_ = 	snop  }
0x39: {  	[tilespmem:s7], [sflag:$0x1] =	stream.indirect_vreg.gather [hbm4b:s3+s2], $0x80, v3, vm0, $0xb8;
	[tilespmem:$0x14100] =	vst v63  }
0x3a: {  	_ = 	snop  }
0x3b: {  	[tilespmem:s8], [sflag:$0x1] =	stream.indirect_vreg.gather [hbm4b:s4+s2], $0x80, v3, vm0, $0xb8;
	[tilespmem:$0x14100] =	vst v63  }
0x3c: {  	v3 =	vld [tilespmem:$0x20];
	_ =	sdelay $0x4  }
0x3d: {  	v46 =	vshll.u32 v3, $0x2  }
0x3e: {  	v3 =	vand.u32 $0x7, v3;
	v4 =	vand.u32 $0xFFFFFFE0, v46  }
0x3f: {  	v3 =	vor.u32 v3, v4  }
0x40: {  	v4 =	vperm.xlane v3, v0;
	_ =	sdelay $0x1  }
0x41: {  	v4 =	vadd.s32 v1, v4;
	_ =	sdelay $0x1  }
0x42: {  	v3 =	vperm.xlane v3, v2;
	_ =	sdelay $0x1  }
0x43: {  	v3 =	vadd.s32 v1, v3  }
0x44: {  	[tilespmem:s9], [sflag:$0x1] =	stream.indirect_vreg.gather [hbm4b:s3+s2], $0x80, v4, vm0, $0xb8;
	[tilespmem:$0x14100] =	vst v63  }
0x45: {  	_ = 	snop  }
0x46: {  	[tilespmem:s10], [sflag:$0x1] =	stream.indirect_vreg.gather [hbm4b:s4+s2], $0x80, v4, vm0, $0xb8;
	[tilespmem:$0x14100] =	vst v63  }
0x47: {  	_ = 	snop  }
0x48: {  	[tilespmem:s11], [sflag:$0x1] =	stream.indirect_vreg.gather [hbm4b:s3+s2], $0x80, v3, vm0, $0xb8;
	[tilespmem:$0x14100] =	vst v63  }
0x49: {  	_ = 	snop  }
0x4a: {  	[tilespmem:s12], [sflag:$0x1] =	stream.indirect_vreg.gather [hbm4b:s4+s2], $0x80, v3, vm0, $0xb8;
	[tilespmem:$0x14100] =	vst v63  }
0x4b: {  	v3 =	vld [tilespmem:$0x30];
	_ =	sdelay $0x4  }
0x4c: {  	v47 =	vshll.u32 v3, $0x2  }
0x4d: {  	v3 =	vand.u32 $0x7, v3;
	v4 =	vand.u32 $0xFFFFFFE0, v47  }
0x4e: {  	v3 =	vor.u32 v3, v4  }
0x4f: {  	v4 =	vperm.xlane v3, v0;
	_ =	sdelay $0x1  }
0x50: {  	v4 =	vadd.s32 v1, v4;
	_ =	sdelay $0x1  }
0x51: {  	v3 =	vperm.xlane v3, v2;
	_ =	sdelay $0x1  }
0x52: {  	v3 =	vadd.s32 v1, v3  }
0x53: {  	[tilespmem:s13], [sflag:$0x1] =	stream.indirect_vreg.gather [hbm4b:s3+s2], $0x80, v4, vm0, $0xb8;
	[tilespmem:$0x14100] =	vst v63  }
0x54: {  	_ = 	snop  }
0x55: {  	[tilespmem:s14], [sflag:$0x1] =	stream.indirect_vreg.gather [hbm4b:s4+s2], $0x80, v4, vm0, $0xb8;
	[tilespmem:$0x14100] =	vst v63  }
0x56: {  	_ = 	snop  }
0x57: {  	[tilespmem:s15], [sflag:$0x1] =	stream.indirect_vreg.gather [hbm4b:s3+s2], $0x80, v3, vm0, $0xb8;
	[tilespmem:$0x14100] =	vst v63  }
0x58: {  	_ = 	snop  }
0x59: {  	[tilespmem:s16], [sflag:$0x1] =	stream.indirect_vreg.gather [hbm4b:s4+s2], $0x80, v3, vm0, $0xb8;
	[tilespmem:$0x14100] =	vst v63  }
0x5a: {  	v3 =	vld [tilespmem:$0x40];
	_ =	sdelay $0x4  }
0x5b: {  	v48 =	vshll.u32 v3, $0x2  }
0x5c: {  	v3 =	vand.u32 $0x7, v3;
	v4 =	vand.u32 $0xFFFFFFE0, v48  }
0x5d: {  	v3 =	vor.u32 v3, v4  }
0x5e: {  	v4 =	vperm.xlane v3, v0;
	_ =	sdelay $0x1  }
0x5f: {  	v4 =	vadd.s32 v1, v4;
	_ =	sdelay $0x1  }
0x60: {  	v3 =	vperm.xlane v3, v2;
	_ =	sdelay $0x1  }
0x61: {  	v3 =	vadd.s32 v1, v3  }
0x62: {  	[tilespmem:s17], [sflag:$0x1] =	stream.indirect_vreg.gather [hbm4b:s3+s2], $0x80, v4, vm0, $0xb8;
	[tilespmem:$0x14100] =	vst v63  }
0x63: {  	_ = 	snop  }
0x64: {  	[tilespmem:s18], [sflag:$0x1] =	stream.indirect_vreg.gather [hbm4b:s4+s2], $0x80, v4, vm0, $0xb8;
	[tilespmem:$0x14100] =	vst v63  }
0x65: {  	_ = 	snop  }
0x66: {  	[tilespmem:s19], [sflag:$0x1] =	stream.indirect_vreg.gather [hbm4b:s3+s2], $0x80, v3, vm0, $0xb8;
	[tilespmem:$0x14100] =	vst v63  }
0x67: {  	_ = 	snop  }
0x68: {  	[tilespmem:s20], [sflag:$0x1] =	stream.indirect_vreg.gather [hbm4b:s4+s2], $0x80, v3, vm0, $0xb8;
	[tilespmem:$0x14100] =	vst v63  }
0x69: {  	s25 =	rddreg [dreg:$0x4];
	s0 =	simm.s32 $0x80  }
0x6a: {  	[tilespmem:s0], [sflag:$0x3] =	stream.linear.gather [hbm4b:s25+s2], $0x50, $0x38;
	[tilespmem:$0x14100] =	vst v63  }
0x6b: {  	_ =	swait.ge [sflag:s6], $0x50  }
0x6c: {  	[sflag:s6] =	ssyncset.done $0x0  }
0x6d: {  	[sflag:s6] =	ssyncadd.s32 $0xFFFFFFB0  }
0x6e: {  	v3 =	vld [tilespmem:$0x80];
	_ =	sdelay $0x4  }
0x6f: {  	v49 =	vshll.u32 v3, $0x2  }
0x70: {  	v3 =	vand.u32 $0x7, v3;
	v4 =	vand.u32 $0xFFFFFFE0, v49  }
0x71: {  	v3 =	vor.u32 v3, v4  }
0x72: {  	v4 =	vperm.xlane v3, v0;
	_ =	sdelay $0x1  }
0x73: {  	v4 =	vadd.s32 v1, v4;
	_ =	sdelay $0x1  }
0x74: {  	v3 =	vperm.xlane v3, v2;
	_ =	sdelay $0x1  }
0x75: {  	v3 =	vadd.s32 v1, v3  }
0x76: {  	[tilespmem:s1], [sflag:$0x1] =	stream.indirect_vreg.gather [hbm4b:s3+s2], $0x80, v4, vm0, $0xb8;
	[tilespmem:$0x14100] =	vst v63  }
0x77: {  	_ = 	snop  }
0x78: {  	[tilespmem:s22], [sflag:$0x1] =	stream.indirect_vreg.gather [hbm4b:s4+s2], $0x80, v4, vm0, $0xb8;
	[tilespmem:$0x14100] =	vst v63  }
0x79: {  	_ = 	snop  }
0x7a: {  	[tilespmem:s29], [sflag:$0x1] =	stream.indirect_vreg.gather [hbm4b:s3+s2], $0x80, v3, vm0, $0xb8;
	[tilespmem:$0x14100] =	vst v63  }
0x7b: {  	s25 =	simm.s32 $0xB900  }
0x7c: {  	[tilespmem:s25], [sflag:$0x1] =	stream.indirect_vreg.gather [hbm4b:s4+s2], $0x80, v3, vm0, $0xb8;
	[tilespmem:$0x14100] =	vst v63  }
0x7d: {  	v3 =	vld [tilespmem:$0x90];
	_ =	sdelay $0x4  }
0x7e: {  	v50 =	vshll.u32 v3, $0x2  }
0x7f: {  	v3 =	vand.u32 $0x7, v3;
	v4 =	vand.u32 $0xFFFFFFE0, v50  }
0x80: {  	v3 =	vor.u32 v3, v4  }
0x81: {  	v4 =	vperm.xlane v3, v0;
	_ =	sdelay $0x1  }
0x82: {  	v4 =	vadd.s32 v1, v4;
	_ =	sdelay $0x1  }
0x83: {  	v3 =	vperm.xlane v3, v2;
	_ =	sdelay $0x1  }
0x84: {  	s25 =	simm.s32 $0xC100;
	v3 =	vadd.s32 v1, v3  }
0x85: {  	[tilespmem:s25], [sflag:$0x1] =	stream.indirect_vreg.gather [hbm4b:s3+s2], $0x80, v4, vm0, $0xb8;
	[tilespmem:$0x14100] =	vst v63  }
0x86: {  	s25 =	simm.s32 $0xC900  }
0x87: {  	[tilespmem:s25], [sflag:$0x1] =	stream.indirect_vreg.gather [hbm4b:s4+s2], $0x80, v4, vm0, $0xb8;
	[tilespmem:$0x14100] =	vst v63  }
0x88: {  	s25 =	simm.s32 $0xD100  }
0x89: {  	[tilespmem:s25], [sflag:$0x1] =	stream.indirect_vreg.gather [hbm4b:s3+s2], $0x80, v3, vm0, $0xb8;
	[tilespmem:$0x14100] =	vst v63  }
0x8a: {  	s25 =	simm.s32 $0xD900  }
0x8b: {  	[tilespmem:s25], [sflag:$0x1] =	stream.indirect_vreg.gather [hbm4b:s4+s2], $0x80, v3, vm0, $0xb8;
	[tilespmem:$0x14100] =	vst v63  }
0x8c: {  	v3 =	vld [tilespmem:$0xA0];
	_ =	sdelay $0x4  }
0x8d: {  	v51 =	vshll.u32 v3, $0x2  }
0x8e: {  	v3 =	vand.u32 $0x7, v3;
	v4 =	vand.u32 $0xFFFFFFE0, v51  }
0x8f: {  	v3 =	vor.u32 v3, v4  }
0x90: {  	v4 =	vperm.xlane v3, v0;
	_ =	sdelay $0x1  }
0x91: {  	v4 =	vadd.s32 v1, v4;
	_ =	sdelay $0x1  }
0x92: {  	v3 =	vperm.xlane v3, v2;
	_ =	sdelay $0x1  }
0x93: {  	s25 =	simm.s32 $0xE100;
	v3 =	vadd.s32 v1, v3  }
0x94: {  	[tilespmem:s25], [sflag:$0x1] =	stream.indirect_vreg.gather [hbm4b:s3+s2], $0x80, v4, vm0, $0xb8;
	[tilespmem:$0x14100] =	vst v63  }
0x95: {  	s25 =	simm.s32 $0xE900  }
0x96: {  	[tilespmem:s25], [sflag:$0x1] =	stream.indirect_vreg.gather [hbm4b:s4+s2], $0x80, v4, vm0, $0xb8;
	[tilespmem:$0x14100] =	vst v63  }
0x97: {  	s25 =	simm.s32 $0xF100  }
0x98: {  	[tilespmem:s25], [sflag:$0x1] =	stream.indirect_vreg.gather [hbm4b:s3+s2], $0x80, v3, vm0, $0xb8;
	[tilespmem:$0x14100] =	vst v63  }
0x99: {  	s25 =	simm.s32 $0xF900  }
0x9a: {  	[tilespmem:s25], [sflag:$0x1] =	stream.indirect_vreg.gather [hbm4b:s4+s2], $0x80, v3, vm0, $0xb8;
	[tilespmem:$0x14100] =	vst v63  }
0x9b: {  	v3 =	vld [tilespmem:$0xB0];
	_ =	sdelay $0x4  }
0x9c: {  	v52 =	vshll.u32 v3, $0x2  }
0x9d: {  	v3 =	vand.u32 $0x7, v3;
	v4 =	vand.u32 $0xFFFFFFE0, v52  }
0x9e: {  	v3 =	vor.u32 v3, v4  }
0x9f: {  	v4 =	vperm.xlane v3, v0;
	_ =	sdelay $0x1  }
0xa0: {  	v4 =	vadd.s32 v1, v4;
	_ =	sdelay $0x1  }
0xa1: {  	v3 =	vperm.xlane v3, v2;
	_ =	sdelay $0x1  }
0xa2: {  	s25 =	simm.s32 $0x10100;
	v3 =	vadd.s32 v1, v3  }
0xa3: {  	[tilespmem:s25], [sflag:$0x1] =	stream.indirect_vreg.gather [hbm4b:s3+s2], $0x80, v4, vm0, $0xb8;
	[tilespmem:$0x14100] =	vst v63  }
0xa4: {  	s25 =	simm.s32 $0x10900  }
0xa5: {  	[tilespmem:s25], [sflag:$0x1] =	stream.indirect_vreg.gather [hbm4b:s4+s2], $0x80, v4, vm0, $0xb8;
	[tilespmem:$0x14100] =	vst v63  }
0xa6: {  	s25 =	simm.s32 $0x11100  }
0xa7: {  	[tilespmem:s25], [sflag:$0x1] =	stream.indirect_vreg.gather [hbm4b:s3+s2], $0x80, v3, vm0, $0xb8;
	[tilespmem:$0x14100] =	vst v63  }
0xa8: {  	s25 =	simm.s32 $0x11900  }
0xa9: {  	[tilespmem:s25], [sflag:$0x1] =	stream.indirect_vreg.gather [hbm4b:s4+s2], $0x80, v3, vm0, $0xb8;
	[tilespmem:$0x14100] =	vst v63  }
0xaa: {  	v3 =	vld [tilespmem:$0xC0];
	_ =	sdelay $0x4  }
0xab: {  	v53 =	vshll.u32 v3, $0x2  }
0xac: {  	v3 =	vand.u32 $0x7, v3;
	v4 =	vand.u32 $0xFFFFFFE0, v53  }
0xad: {  	v3 =	vor.u32 v3, v4  }
0xae: {  	v4 =	vperm.xlane v3, v0;
	_ =	sdelay $0x1  }
0xaf: {  	v4 =	vadd.s32 v1, v4;
	_ =	sdelay $0x1  }
0xb0: {  	v3 =	vperm.xlane v3, v2;
	_ =	sdelay $0x1  }
0xb1: {  	s25 =	simm.s32 $0x12100;
	v3 =	vadd.s32 v1, v3  }
0xb2: {  	[tilespmem:s25], [sflag:$0x1] =	stream.indirect_vreg.gather [hbm4b:s3+s2], $0x80, v4, vm0, $0xb8;
	[tilespmem:$0x14100] =	vst v63  }
0xb3: {  	s25 =	simm.s32 $0x12900  }
0xb4: {  	[tilespmem:s25], [sflag:$0x1] =	stream.indirect_vreg.gather [hbm4b:s4+s2], $0x80, v4, vm0, $0xb8;
	[tilespmem:$0x14100] =	vst v63  }
0xb5: {  	s25 =	simm.s32 $0x13100  }
0xb6: {  	[tilespmem:s25], [sflag:$0x1] =	stream.indirect_vreg.gather [hbm4b:s3+s2], $0x80, v3, vm0, $0xb8;
	[tilespmem:$0x14100] =	vst v63  }
0xb7: {  	s25 =	simm.s32 $0x13900  }
0xb8: {  	[tilespmem:s25], [sflag:$0x1] =	stream.indirect_vreg.gather [hbm4b:s4+s2], $0x80, v3, vm0, $0xb8;
	[tilespmem:$0x14100] =	vst v63  }
0xb9: {  	_ =	swait.ge [sflag:s23], $0xA000  }
0xba: {  	[sflag:s23] =	ssyncset.done $0x0  }
0xbb: {  	s0 =	simm.s32 $0x100;
	s25 =	rddreg [dreg:$0x5];
	[sflag:s23] =	ssyncadd.s32 $0xFFFF6000  }
0xbc: {  	[hbm4b:s25+s2] =	stream.linear.scatter [tilespmem:s0], [sflag:$0x2], $0xA000, $0x38;
	[tilespmem:$0x14100] =	vst v63  }
0xbd: {  	_ =	swait.ge [sflag:s24], $0xA000  }
0xbe: {  	[sflag:s24] =	ssyncset.done $0x0  }
0xbf: {  	s25 =	rddreg [dreg:$0x6];
	[sflag:s24] =	ssyncadd.s32 $0xFFFF6000  }
0xc0: {  	[tilespmem:s2], [sflag:$0x3] =	stream.linear.gather [hbm4b:s25+s2], $0x50, $0x38;
	[tilespmem:$0x14100] =	vst v63  }
0xc1: {  	_ =	swait.ge [sflag:s6], $0x50  }
0xc2: {  	[sflag:s6] =	ssyncset.done $0x0  }
0xc3: {  	[sflag:s6] =	ssyncadd.s32 $0xFFFFFFB0  }
0xc4: {  	v3 =	vld [tilespmem:$0x0];
	_ =	sdelay $0x4  }
0xc5: {  	v54 =	vshll.u32 v3, $0x2  }
0xc6: {  	v3 =	vand.u32 $0x7, v3;
	v4 =	vand.u32 $0xFFFFFFE0, v54  }
0xc7: {  	v3 =	vor.u32 v3, v4  }
0xc8: {  	v4 =	vperm.xlane v3, v0;
	_ =	sdelay $0x1  }
0xc9: {  	v4 =	vadd.s32 v1, v4;
	_ =	sdelay $0x1  }
0xca: {  	v3 =	vperm.xlane v3, v2;
	_ =	sdelay $0x1  }
0xcb: {  	v3 =	vadd.s32 v1, v3  }
0xcc: {  	[tilespmem:s0], [sflag:$0x1] =	stream.indirect_vreg.gather [hbm4b:s3+s2], $0x80, v4, vm0, $0xb8;
	[tilespmem:$0x14100] =	vst v63  }
0xcd: {  	_ = 	snop  }
0xce: {  	[tilespmem:s26], [sflag:$0x1] =	stream.indirect_vreg.gather [hbm4b:s4+s2], $0x80, v4, vm0, $0xb8;
	[tilespmem:$0x14100] =	vst v63  }
0xcf: {  	_ = 	snop  }
0xd0: {  	[tilespmem:s28], [sflag:$0x1] =	stream.indirect_vreg.gather [hbm4b:s3+s2], $0x80, v3, vm0, $0xb8;
	[tilespmem:$0x14100] =	vst v63  }
0xd1: {  	_ = 	snop  }
0xd2: {  	[tilespmem:s30], [sflag:$0x1] =	stream.indirect_vreg.gather [hbm4b:s4+s2], $0x80, v3, vm0, $0xb8;
	[tilespmem:$0x14100] =	vst v63  }
0xd3: {  	v3 =	vld [tilespmem:$0x10];
	_ =	sdelay $0x4  }
0xd4: {  	v55 =	vshll.u32 v3, $0x2  }
0xd5: {  	v3 =	vand.u32 $0x7, v3;
	v4 =	vand.u32 $0xFFFFFFE0, v55  }
0xd6: {  	v3 =	vor.u32 v3, v4  }
0xd7: {  	v4 =	vperm.xlane v3, v0;
	_ =	sdelay $0x1  }
0xd8: {  	v4 =	vadd.s32 v1, v4;
	_ =	sdelay $0x1  }
0xd9: {  	v3 =	vperm.xlane v3, v2;
	_ =	sdelay $0x1  }
0xda: {  	v3 =	vadd.s32 v1, v3  }
0xdb: {  	[tilespmem:s31], [sflag:$0x1] =	stream.indirect_vreg.gather [hbm4b:s3+s2], $0x80, v4, vm0, $0xb8;
	[tilespmem:$0x14100] =	vst v63  }
0xdc: {  	_ = 	snop  }
0xdd: {  	[tilespmem:s21], [sflag:$0x1] =	stream.indirect_vreg.gather [hbm4b:s4+s2], $0x80, v4, vm0, $0xb8;
	[tilespmem:$0x14100] =	vst v63  }
0xde: {  	_ = 	snop  }
0xdf: {  	[tilespmem:s7], [sflag:$0x1] =	stream.indirect_vreg.gather [hbm4b:s3+s2], $0x80, v3, vm0, $0xb8;
	[tilespmem:$0x14100] =	vst v63  }
0xe0: {  	_ = 	snop  }
0xe1: {  	[tilespmem:s8], [sflag:$0x1] =	stream.indirect_vreg.gather [hbm4b:s4+s2], $0x80, v3, vm0, $0xb8;
	[tilespmem:$0x14100] =	vst v63  }
0xe2: {  	v3 =	vld [tilespmem:$0x20];
	_ =	sdelay $0x4  }
0xe3: {  	v56 =	vshll.u32 v3, $0x2  }
0xe4: {  	v3 =	vand.u32 $0x7, v3;
	v4 =	vand.u32 $0xFFFFFFE0, v56  }
0xe5: {  	v3 =	vor.u32 v3, v4  }
0xe6: {  	v4 =	vperm.xlane v3, v0;
	_ =	sdelay $0x1  }
0xe7: {  	v4 =	vadd.s32 v1, v4;
	_ =	sdelay $0x1  }
0xe8: {  	v3 =	vperm.xlane v3, v2;
	_ =	sdelay $0x1  }
0xe9: {  	v3 =	vadd.s32 v1, v3  }
0xea: {  	[tilespmem:s9], [sflag:$0x1] =	stream.indirect_vreg.gather [hbm4b:s3+s2], $0x80, v4, vm0, $0xb8;
	[tilespmem:$0x14100] =	vst v63  }
0xeb: {  	_ = 	snop  }
0xec: {  	[tilespmem:s10], [sflag:$0x1] =	stream.indirect_vreg.gather [hbm4b:s4+s2], $0x80, v4, vm0, $0xb8;
	[tilespmem:$0x14100] =	vst v63  }
0xed: {  	_ = 	snop  }
0xee: {  	[tilespmem:s11], [sflag:$0x1] =	stream.indirect_vreg.gather [hbm4b:s3+s2], $0x80, v3, vm0, $0xb8;
	[tilespmem:$0x14100] =	vst v63  }
0xef: {  	_ = 	snop  }
0xf0: {  	[tilespmem:s12], [sflag:$0x1] =	stream.indirect_vreg.gather [hbm4b:s4+s2], $0x80, v3, vm0, $0xb8;
	[tilespmem:$0x14100] =	vst v63  }
0xf1: {  	v3 =	vld [tilespmem:$0x30];
	_ =	sdelay $0x4  }
0xf2: {  	v57 =	vshll.u32 v3, $0x2  }
0xf3: {  	v3 =	vand.u32 $0x7, v3;
	v4 =	vand.u32 $0xFFFFFFE0, v57  }
0xf4: {  	v3 =	vor.u32 v3, v4  }
0xf5: {  	v4 =	vperm.xlane v3, v0;
	_ =	sdelay $0x1  }
0xf6: {  	v4 =	vadd.s32 v1, v4;
	_ =	sdelay $0x1  }
0xf7: {  	v3 =	vperm.xlane v3, v2;
	_ =	sdelay $0x1  }
0xf8: {  	v3 =	vadd.s32 v1, v3  }
0xf9: {  	[tilespmem:s13], [sflag:$0x1] =	stream.indirect_vreg.gather [hbm4b:s3+s2], $0x80, v4, vm0, $0xb8;
	[tilespmem:$0x14100] =	vst v63  }
0xfa: {  	_ = 	snop  }
0xfb: {  	[tilespmem:s14], [sflag:$0x1] =	stream.indirect_vreg.gather [hbm4b:s4+s2], $0x80, v4, vm0, $0xb8;
	[tilespmem:$0x14100] =	vst v63  }
0xfc: {  	_ = 	snop  }
0xfd: {  	[tilespmem:s15], [sflag:$0x1] =	stream.indirect_vreg.gather [hbm4b:s3+s2], $0x80, v3, vm0, $0xb8;
	[tilespmem:$0x14100] =	vst v63  }
0xfe: {  	_ = 	snop  }
0xff: {  	[tilespmem:s16], [sflag:$0x1] =	stream.indirect_vreg.gather [hbm4b:s4+s2], $0x80, v3, vm0, $0xb8;
	[tilespmem:$0x14100] =	vst v63  }
0x100: {  	v3 =	vld [tilespmem:$0x40];
	_ =	sdelay $0x4  }
0x101: {  	v58 =	vshll.u32 v3, $0x2  }
0x102: {  	v3 =	vand.u32 $0x7, v3;
	v4 =	vand.u32 $0xFFFFFFE0, v58  }
0x103: {  	v3 =	vor.u32 v3, v4  }
0x104: {  	v4 =	vperm.xlane v3, v0;
	_ =	sdelay $0x1  }
0x105: {  	v4 =	vadd.s32 v1, v4;
	_ =	sdelay $0x1  }
0x106: {  	v3 =	vperm.xlane v3, v2;
	_ =	sdelay $0x1  }
0x107: {  	v3 =	vadd.s32 v1, v3  }
0x108: {  	[tilespmem:s17], [sflag:$0x1] =	stream.indirect_vreg.gather [hbm4b:s3+s2], $0x80, v4, vm0, $0xb8;
	[tilespmem:$0x14100] =	vst v63  }
0x109: {  	_ = 	snop  }
0x10a: {  	[tilespmem:s18], [sflag:$0x1] =	stream.indirect_vreg.gather [hbm4b:s4+s2], $0x80, v4, vm0, $0xb8;
	[tilespmem:$0x14100] =	vst v63  }
0x10b: {  	_ = 	snop  }
0x10c: {  	[tilespmem:s19], [sflag:$0x1] =	stream.indirect_vreg.gather [hbm4b:s3+s2], $0x80, v3, vm0, $0xb8;
	[tilespmem:$0x14100] =	vst v63  }
0x10d: {  	_ = 	snop  }
0x10e: {  	[tilespmem:s20], [sflag:$0x1] =	stream.indirect_vreg.gather [hbm4b:s4+s2], $0x80, v3, vm0, $0xb8;
	[tilespmem:$0x14100] =	vst v63  }
0x10f: {  	_ =	swait.ge [sflag:s23], $0xA000  }
0x110: {  	[sflag:s23] =	ssyncset.done $0x0  }
0x111: {  	s0 =	rddreg [dreg:$0x7];
	[sflag:s23] =	ssyncadd.s32 $0xFFFF6000  }
0x112: {  	[hbm4b:s0+s2] =	stream.linear.scatter [tilespmem:s1], [sflag:$0x2], $0xA000, $0x38;
	[tilespmem:$0x14100] =	vst v63  }
0x113: {  	_ =	swait.ge [sflag:s24], $0xA000  }
0x114: {  	[sflag:s24] =	ssyncset.done $0x0  }
0x115: {  	s0 =	simm.s32 $0x80;
	s25 =	rddreg [dreg:$0x8];
	[sflag:s24] =	ssyncadd.s32 $0xFFFF6000  }
0x116: {  	[tilespmem:s0], [sflag:$0x3] =	stream.linear.gather [hbm4b:s25+s2], $0x50, $0x38;
	[tilespmem:$0x14100] =	vst v63  }
0x117: {  	_ =	swait.ge [sflag:s6], $0x50  }
0x118: {  	[sflag:s6] =	ssyncset.done $0x0  }
0x119: {  	[sflag:s6] =	ssyncadd.s32 $0xFFFFFFB0  }
0x11a: {  	v3 =	vld [tilespmem:$0x80];
	_ =	sdelay $0x4  }
0x11b: {  	v59 =	vshll.u32 v3, $0x2  }
0x11c: {  	v3 =	vand.u32 $0x7, v3;
	v4 =	vand.u32 $0xFFFFFFE0, v59  }
0x11d: {  	v3 =	vor.u32 v3, v4  }
0x11e: {  	v4 =	vperm.xlane v3, v0;
	_ =	sdelay $0x1  }
0x11f: {  	v4 =	vadd.s32 v1, v4;
	_ =	sdelay $0x1  }
0x120: {  	v3 =	vperm.xlane v3, v2;
	_ =	sdelay $0x1  }
0x121: {  	v3 =	vadd.s32 v1, v3  }
0x122: {  	[tilespmem:s1], [sflag:$0x1] =	stream.indirect_vreg.gather [hbm4b:s3+s2], $0x80, v4, vm0, $0xb8;
	[tilespmem:$0x14100] =	vst v63  }
0x123: {  	_ = 	snop  }
0x124: {  	[tilespmem:s22], [sflag:$0x1] =	stream.indirect_vreg.gather [hbm4b:s4+s2], $0x80, v4, vm0, $0xb8;
	[tilespmem:$0x14100] =	vst v63  }
0x125: {  	_ = 	snop  }
0x126: {  	[tilespmem:s29], [sflag:$0x1] =	stream.indirect_vreg.gather [hbm4b:s3+s2], $0x80, v3, vm0, $0xb8;
	[tilespmem:$0x14100] =	vst v63  }
0x127: {  	s25 =	simm.s32 $0xB900  }
0x128: {  	[tilespmem:s25], [sflag:$0x1] =	stream.indirect_vreg.gather [hbm4b:s4+s2], $0x80, v3, vm0, $0xb8;
	[tilespmem:$0x14100] =	vst v63  }
0x129: {  	v3 =	vld [tilespmem:$0x90];
	_ =	sdelay $0x4  }
0x12a: {  	v60 =	vshll.u32 v3, $0x2  }
0x12b: {  	v3 =	vand.u32 $0x7, v3;
	v4 =	vand.u32 $0xFFFFFFE0, v60  }
0x12c: {  	v3 =	vor.u32 v3, v4  }
0x12d: {  	v4 =	vperm.xlane v3, v0;
	_ =	sdelay $0x1  }
0x12e: {  	v4 =	vadd.s32 v1, v4;
	_ =	sdelay $0x1  }
0x12f: {  	v3 =	vperm.xlane v3, v2;
	_ =	sdelay $0x1  }
0x130: {  	s25 =	simm.s32 $0xC100;
	v3 =	vadd.s32 v1, v3  }
0x131: {  	[tilespmem:s25], [sflag:$0x1] =	stream.indirect_vreg.gather [hbm4b:s3+s2], $0x80, v4, vm0, $0xb8;
	[tilespmem:$0x14100] =	vst v63  }
0x132: {  	s25 =	simm.s32 $0xC900  }
0x133: {  	[tilespmem:s25], [sflag:$0x1] =	stream.indirect_vreg.gather [hbm4b:s4+s2], $0x80, v4, vm0, $0xb8;
	[tilespmem:$0x14100] =	vst v63  }
0x134: {  	s25 =	simm.s32 $0xD100  }
0x135: {  	[tilespmem:s25], [sflag:$0x1] =	stream.indirect_vreg.gather [hbm4b:s3+s2], $0x80, v3, vm0, $0xb8;
	[tilespmem:$0x14100] =	vst v63  }
0x136: {  	s25 =	simm.s32 $0xD900  }
0x137: {  	[tilespmem:s25], [sflag:$0x1] =	stream.indirect_vreg.gather [hbm4b:s4+s2], $0x80, v3, vm0, $0xb8;
	[tilespmem:$0x14100] =	vst v63  }
0x138: {  	v3 =	vld [tilespmem:$0xA0];
	_ =	sdelay $0x4  }
0x139: {  	v61 =	vshll.u32 v3, $0x2  }
0x13a: {  	v3 =	vand.u32 $0x7, v3;
	v4 =	vand.u32 $0xFFFFFFE0, v61  }
0x13b: {  	v3 =	vor.u32 v3, v4  }
0x13c: {  	v4 =	vperm.xlane v3, v0;
	_ =	sdelay $0x1  }
0x13d: {  	v4 =	vadd.s32 v1, v4;
	_ =	sdelay $0x1  }
0x13e: {  	v3 =	vperm.xlane v3, v2;
	_ =	sdelay $0x1  }
0x13f: {  	s25 =	simm.s32 $0xE100;
	v3 =	vadd.s32 v1, v3  }
0x140: {  	[tilespmem:s25], [sflag:$0x1] =	stream.indirect_vreg.gather [hbm4b:s3+s2], $0x80, v4, vm0, $0xb8;
	[tilespmem:$0x14100] =	vst v63  }
0x141: {  	s25 =	simm.s32 $0xE900  }
0x142: {  	[tilespmem:s25], [sflag:$0x1] =	stream.indirect_vreg.gather [hbm4b:s4+s2], $0x80, v4, vm0, $0xb8;
	[tilespmem:$0x14100] =	vst v63  }
0x143: {  	s25 =	simm.s32 $0xF100  }
0x144: {  	[tilespmem:s25], [sflag:$0x1] =	stream.indirect_vreg.gather [hbm4b:s3+s2], $0x80, v3, vm0, $0xb8;
	[tilespmem:$0x14100] =	vst v63  }
0x145: {  	s25 =	simm.s32 $0xF900  }
0x146: {  	[tilespmem:s25], [sflag:$0x1] =	stream.indirect_vreg.gather [hbm4b:s4+s2], $0x80, v3, vm0, $0xb8;
	[tilespmem:$0x14100] =	vst v63  }
0x147: {  	v3 =	vld [tilespmem:$0xB0];
	_ =	sdelay $0x4  }
0x148: {  	v62 =	vshll.u32 v3, $0x2  }
0x149: {  	v3 =	vand.u32 $0x7, v3;
	v4 =	vand.u32 $0xFFFFFFE0, v62  }
0x14a: {  	v3 =	vor.u32 v3, v4  }
0x14b: {  	v4 =	vperm.xlane v3, v0;
	_ =	sdelay $0x1  }
0x14c: {  	v4 =	vadd.s32 v1, v4;
	_ =	sdelay $0x1  }
0x14d: {  	v3 =	vperm.xlane v3, v2;
	_ =	sdelay $0x1  }
0x14e: {  	s25 =	simm.s32 $0x10100;
	v3 =	vadd.s32 v1, v3  }
0x14f: {  	[tilespmem:s25], [sflag:$0x1] =	stream.indirect_vreg.gather [hbm4b:s3+s2], $0x80, v4, vm0, $0xb8;
	[tilespmem:$0x14100] =	vst v63  }
0x150: {  	s25 =	simm.s32 $0x10900  }
0x151: {  	[tilespmem:s25], [sflag:$0x1] =	stream.indirect_vreg.gather [hbm4b:s4+s2], $0x80, v4, vm0, $0xb8;
	[tilespmem:$0x14100] =	vst v63  }
0x152: {  	s25 =	simm.s32 $0x11100  }
0x153: {  	[tilespmem:s25], [sflag:$0x1] =	stream.indirect_vreg.gather [hbm4b:s3+s2], $0x80, v3, vm0, $0xb8;
	[tilespmem:$0x14100] =	vst v63  }
0x154: {  	s25 =	simm.s32 $0x11900  }
0x155: {  	[tilespmem:s25], [sflag:$0x1] =	stream.indirect_vreg.gather [hbm4b:s4+s2], $0x80, v3, vm0, $0xb8;
	[tilespmem:$0x14100] =	vst v63  }
0x156: {  	v3 =	vld [tilespmem:$0xC0];
	_ =	sdelay $0x4  }
0x157: {  	v63 =	vshll.u32 v3, $0x2  }
0x158: {  	v3 =	vand.u32 $0x7, v3;
	v4 =	vand.u32 $0xFFFFFFE0, v63  }
0x159: {  	v3 =	vor.u32 v3, v4  }
0x15a: {  	v4 =	vperm.xlane v3, v0;
	_ =	sdelay $0x1  }
0x15b: {  	v4 =	vadd.s32 v1, v4;
	_ =	sdelay $0x1  }
0x15c: {  	v3 =	vperm.xlane v3, v2;
	_ =	sdelay $0x1  }
0x15d: {  	s25 =	simm.s32 $0x12100;
	v3 =	vadd.s32 v1, v3  }
0x15e: {  	[tilespmem:s25], [sflag:$0x1] =	stream.indirect_vreg.gather [hbm4b:s3+s2], $0x80, v4, vm0, $0xb8;
	[tilespmem:$0x14100] =	vst v63  }
0x15f: {  	s25 =	simm.s32 $0x12900  }
0x160: {  	[tilespmem:s25], [sflag:$0x1] =	stream.indirect_vreg.gather [hbm4b:s4+s2], $0x80, v4, vm0, $0xb8;
	[tilespmem:$0x14100] =	vst v63  }
0x161: {  	s25 =	simm.s32 $0x13100  }
0x162: {  	[tilespmem:s25], [sflag:$0x1] =	stream.indirect_vreg.gather [hbm4b:s3+s2], $0x80, v3, vm0, $0xb8;
	[tilespmem:$0x14100] =	vst v63  }
0x163: {  	s25 =	simm.s32 $0x13900  }
0x164: {  	[tilespmem:s25], [sflag:$0x1] =	stream.indirect_vreg.gather [hbm4b:s4+s2], $0x80, v3, vm0, $0xb8;
	[tilespmem:$0x14100] =	vst v63  }
0x165: {  	_ =	swait.ge [sflag:s23], $0xA000  }
0x166: {  	[sflag:s23] =	ssyncset.done $0x0  }
0x167: {  	s0 =	simm.s32 $0x100;
	s25 =	rddreg [dreg:$0x9];
	[sflag:s23] =	ssyncadd.s32 $0xFFFF6000  }
0x168: {  	[hbm4b:s25+s2] =	stream.linear.scatter [tilespmem:s0], [sflag:$0x2], $0xA000, $0x38;
	[tilespmem:$0x14100] =	vst v63  }
0x169: {  	_ =	swait.ge [sflag:s23], $0xA000  }
0x16a: {  	[sflag:s23] =	ssyncset.done $0x0  }
0x16b: {  	[sflag:s23] =	ssyncadd.s32 $0xFFFF6000  }
0x16c: {  	_ =	swait.ge [sflag:s24], $0xA000  }
0x16d: {  	p0 =	sne.s32 s5, $0x1;
	[sflag:s24] =	ssyncset.done $0x0  }
.Ltmp0:
0x16e: {  	s0 =	rddreg [dreg:$0xa];
	[sflag:s24] =	ssyncadd.s32 $0xFFFF6000;
	(pc) =	sbr.rel @p0 .LBB2_1-.Ltmp0, $4  }
0x16f: {  	[hbm4b:s0+s2] =	stream.linear.scatter [tilespmem:s1], [sflag:$0x3], $0xA000, $0x38;
	[tilespmem:$0x14100] =	vst v63  }
0x170: {  	_ =	swait.ge [sflag:s6], $0xA000  }
0x171: {  	[sflag:s6] =	ssyncset.done $0x0  }
0x172: {  	s5 =	sadd.s32 $0xFFFFFFFF, s5;
	[sflag:s6] =	ssyncadd.s32 $0xFFFF6000  }
0x173: {  	_ =	sfence.sel $0x180000  }
0x174: {  	[bflag:$0x0] =	sbarrier.arrive $0xFFFF  }
0x175: {  	_ =	strace $0x90000047  }
0x176: {  	s0 =	stileid.u32;
	[bflag:$0x2] =	sbarrier.arrive $0xFFFF  }
0x177: {  	p0 =	sne.s32 s0, $0x0;
	s0 =	rddreg [dreg:$0x2]  }
0x178: {  	s0 =	sadd.s32 @!p0 $0x100000, s0  }
0x179: {  	[sflag:s0] =	ssyncadd.tile.s32 @!p0 $0x1;
	_ =	shalt  }
.Lfunc_end2:
_tile_overlayer_lowered:
.L_overlay_start_2:
0x17a: {  	(tag) =	ssettag $0x2  }
0x17b: {  	s0 =	rddreg [dreg:$0x0];
	s2 =	stileid.u32  }
0x17c: {  	s1 =	rddreg [dreg:$0x1];
	p0 =	sne.s32 s2, $0x0  }
0x17d: {  	s3 =	rddreg [dreg:$0x2];
	[bflag:$0x3] =	sbarrier.arrive $0xFFFF;
	s2 =	simm.s32 @!p0 $0x1C03  }
0x17e: {  	[timem:s3], [sflag:s2] =	dma.local @!p0 [hbm:s0], s1  }
0x17f: {  	s0 =	simm.s32 @!p0 $0x3  }
0x180: {  	_ =	swait.ge @!p0 [sflag:s0], s1  }
0x181: {  	s1 =	ssub.s32 @!p0 $0x0, s1;
	[sflag:s0] =	ssyncset.done @!p0 $0x0  }
0x182: {  	[sflag:s0] =	ssyncadd.s32 @!p0 s1  }
0x183: {  	[bflag:$0x3] =	sbarrier.arrive $0xFFFF  }
0x184: {  	_ =	shalt  }

</sc_bundles>
